<compile_context>
chip_gen: v7x
topology: tpu7x:2x2x1
jax: 0.10.2.dev20260603
libtpu: 0.0.44.dev20260713+nightly
codegen_flags: <defaults>
</compile_context>

<pallas_src>
import functools

import jax
import jax.numpy as jnp
from jax import lax
from jax.experimental import pallas as pl
from jax.experimental.pallas import tpu as pltpu
from jax.experimental.pallas import tpu_sc as plsc

_N = 100000
_NW = 32
_CH = 3200
_CH_LAST = _N - 31 * _CH

_ATAN_C = (
    0.9999999996145265, -0.33333323665627346, 0.19999595854187444,
    -0.14279048417055304, 0.11053784754123588, -0.08796117560273797,
    0.06710113994589992, -0.04427366834008286, 0.02220345496804037,
    -0.007166164919505208, 0.0010844927552623568,
)


def _rsqrt(x):
    i = lax.bitcast_convert_type(x, jnp.int32)
    i = jnp.int32(0x5F3759DF) - lax.shift_right_logical(i, 1)
    y = lax.bitcast_convert_type(i, jnp.float32)
    for _ in range(4):
        y = y * (1.5 - 0.5 * x * y * y)
    return y


def _recip(x):
    i = lax.bitcast_convert_type(x, jnp.int32)
    i = jnp.int32(0x7EF311C3) - i
    r = lax.bitcast_convert_type(i, jnp.float32)
    for _ in range(4):
        r = r * (2.0 - x * r)
    return r


def _atan2(y, x):
    ay, ax = jnp.abs(y), jnp.abs(x)
    num, den = jnp.minimum(ay, ax), jnp.maximum(ay, ax)
    t = num * _recip(den)
    u = t * t
    p = jnp.float32(_ATAN_C[10])
    for k in range(9, -1, -1):
        p = p * u + jnp.float32(_ATAN_C[k])
    a = t * p
    a = jnp.where(ay > ax, jnp.float32(jnp.pi / 2) - a, a)
    a = jnp.where(x < 0, jnp.float32(jnp.pi) - a, a)
    return jnp.where(y < 0, -a, a)


def _dihedral12(p):
    p1x, p1y, p1z, p2x, p2y, p2z, p3x, p3y, p3z, p4x, p4y, p4z = p
    ax, ay, az = p1x - p2x, p1y - p2y, p1z - p2z
    bx, by, bz = p3x - p2x, p3y - p2y, p3z - p2z
    cx, cy, cz = p4x - p3x, p4y - p3y, p4z - p3z
    rb = _rsqrt(bx * bx + by * by + bz * bz)
    ux, uy, uz = bx * rb, by * rb, bz * rb
    da = ax * ux + ay * uy + az * uz
    n1x, n1y, n1z = ax - da * ux, ay - da * uy, az - da * uz
    dc = cx * ux + cy * uy + cz * uz
    n2x, n2y, n2z = cx - dc * ux, cy - dc * uy, cz - dc * uz
    mx = uy * n1z - uz * n1y
    my = uz * n1x - ux * n1z
    mz = ux * n1y - uy * n1x
    num = mx * n2x + my * n2y + mz * n2z
    den = n1x * n2x + n1y * n2y + n1z * n2z
    return _atan2(num, den)


def _value_and_grad12(*p):
    cv, vjp_fn = jax.vjp(lambda *q: _dihedral12(q), *p)
    gs = vjp_fn(jnp.full((16,), 1.0, jnp.float32))
    return (cv, *gs)


def _eval_rewriting_add_any(closed_jaxpr, args):
    from jax.extend import core as jax_core
    jaxpr = closed_jaxpr.jaxpr
    env = {}

    def read(a):
        return a.val if isinstance(a, jax_core.Literal) else env[a]

    for v, c in zip(jaxpr.constvars, closed_jaxpr.consts):
        env[v] = c
    for v, a in zip(jaxpr.invars, args):
        env[v] = a
    for eqn in jaxpr.eqns:
        invals = [read(x) for x in eqn.invars]
        if eqn.primitive.name == "add_any":
            outs = [lax.add(invals[0], invals[1])]
        else:
            outs = eqn.primitive.bind(*invals, **eqn.params)
            if not eqn.primitive.multiple_results:
                outs = [outs]
        for v, o in zip(eqn.outvars, outs):
            env[v] = o
    return [read(v) for v in jaxpr.outvars]


def _body(xyz_hbm, zeros_hbm, cv_hbm, g_hbm, xv, headv, cvv):
    wid = lax.axis_index("s") * 2 + lax.axis_index("c")

    @pl.when(wid < _NW - 1)
    def _():
        pltpu.sync_copy(zeros_hbm, g_hbm.at[pl.ds(wid * _CH, _CH)])

    @pl.when(wid == _NW - 1)
    def _():
        pltpu.sync_copy(zeros_hbm.at[pl.ds(0, _CH_LAST)],
                        g_hbm.at[pl.ds((_NW - 1) * _CH, _CH_LAST)])

    @pl.when(wid == 0)
    def _():
        pltpu.sync_copy(xyz_hbm.at[pl.ds(0, 8)], xv)
        lanes = lax.broadcasted_iota(jnp.int32, (16,), 0)
        p = tuple(
            plsc.load_gather(
                xv, [jnp.full((16,), k // 3, jnp.int32),
                     jnp.full((16,), k % 3, jnp.int32)])
            for k in range(12)
        )
        vg_jaxpr = jax.make_jaxpr(_value_and_grad12)(
            *[jax.ShapeDtypeStruct((16,), jnp.float32)] * 12)
        cv, *grads = _eval_rewriting_add_any(vg_jaxpr, p)
        cvv[...] = cv
        acc = jnp.zeros((16,), jnp.float32)
        for k in range(12):
            acc = jnp.where(lanes == k, grads[k], acc)
        ridx = jnp.minimum(lanes // 3, 3)
        cidx = lanes % 3
        plsc.store_scatter(headv, [ridx, cidx], acc, mask=lanes < 12)
        pltpu.sync_copy(headv, g_hbm.at[pl.ds(0, 4)])
        pltpu.sync_copy(cvv, cv_hbm)


@functools.partial(
    pl.kernel,
    out_type=[
        jax.ShapeDtypeStruct((16,), jnp.float32),
        jax.ShapeDtypeStruct((_N, 3), jnp.float32),
    ],
    mesh=plsc.VectorSubcoreMesh(core_axis_name="c", subcore_axis_name="s"),
    compiler_params=pltpu.CompilerParams(needs_layout_passes=False),
    scratch_types=[
        pltpu.VMEM((8, 3), jnp.float32),
        pltpu.VMEM((4, 3), jnp.float32),
        pltpu.VMEM((16,), jnp.float32),
    ],
)
def _sc_colvar(xyz_hbm, zeros_hbm, cv_hbm, g_hbm, xv, headv, cvv):
    _body(xyz_hbm, zeros_hbm, cv_hbm, g_hbm, xv, headv, cvv)


def kernel(xyz):
    zeros_blk = jnp.zeros((_CH, 3), jnp.float32)
    cv16, g = _sc_colvar(xyz, zeros_blk)
    return cv16[0], g

# --- scband reference (transcript-rebuilt; emitter-appended) ---
"""Pipeline reference for scband-col-var-17970143167195 (READ-ONLY COPY).

The authoritative reference and input builder live on the scoring server;
editing this copy changes nothing except your own understanding.
"""

import jax, jax.numpy as jnp
import numpy as np

INDEX_LIST = [0, 1, 2, 3]


def _dihedral(xyz):
    # ColVar.dihedral with integer indices (no COM groups): centers are single atoms
    p1 = xyz[INDEX_LIST[0]]
    p2 = xyz[INDEX_LIST[1]]
    p3 = xyz[INDEX_LIST[2]]
    p4 = xyz[INDEX_LIST[3]]
    q12 = p2 - p1
    q23 = p3 - p2
    q34 = p4 - p3
    q23_u = q23 / jnp.linalg.norm(q23)
    n1 = -q12 - jnp.dot(-q12, q23_u) * q23_u
    n2 = q34 - jnp.dot(q34, q23_u) * q23_u
    cv = jnp.arctan2(jnp.dot(jnp.cross(q23_u, n1), n2), jnp.dot(n1, n2))
    return cv


def setup_inputs(seed: int = 0) -> dict:
    key = jax.random.key(seed)
    xyz = jax.random.normal(key, (100000, 3), dtype=jnp.float32) * 5.0
    return {"xyz": xyz}


def reference(xyz):
    # ColVar.forward: computes the collective variable and its Cartesian gradient
    cv, cv_grad = jax.value_and_grad(_dihedral)(xyz)
    return cv, cv_grad

if __name__ == "__main__":
    import jax
    _d = setup_inputs()
    print(jax.jit(kernel)(*tuple(_d.values())))

</pallas_src>

<mosaic_0001>
#map = affine_map<(d0, d1) -> (0, 0)>
#map1 = affine_map<(d0, d1) -> (0)>
module attributes {stable_mosaic.version = 14 : i64} {
  func.func @_sc_colvar(%arg0: i32, %arg1: i32, %arg2: memref<100000x3xf32, #tpu.memory_space<hbm>>, %arg3: memref<3200x3xf32, #tpu.memory_space<hbm>>, %arg4: memref<16xf32, #tpu.memory_space<hbm>>, %arg5: memref<100000x3xf32, #tpu.memory_space<hbm>>, %arg6: memref<8x3xf32, #tpu.memory_space<vmem>>, %arg7: memref<4x3xf32, #tpu.memory_space<vmem>>, %arg8: memref<16xf32, #tpu.memory_space<vmem>>) attributes {dimension_semantics = [#tpu.dimension_semantics<core_parallel>, #tpu.dimension_semantics<subcore_parallel>], iteration_bounds = array<i64: 2, 16>, scalar_prefetch = 0 : i64, scratch_operands = 3 : i64, tpu.core_type = #tpu.core_type<sc_vector_subcore>, window_params = [{transform_indices = #map}, {transform_indices = #map}, {transform_indices = #map1}, {transform_indices = #map}]} {
    %mul3A = arith.constant 2 : i32
    %mul3A_0 = arith.muli %arg1, %mul3A : i32
    %add3A = arith.addi %mul3A_0, %arg0 : i32
    %lt3A = arith.constant 31 : i32
    %lt3A_1 = arith.cmpi slt, %add3A, %lt3A : i32
    %convert_element_type3A = arith.extui %lt3A_1 : i1 to i32
    %cond3A = arith.constant 0 : i32
    %cond3A_2 = arith.cmpi ne, %convert_element_type3A, %cond3A : i32
    scf.if %cond3A_2 {
      %mul3A_12 = arith.constant 3200 : i32
      %mul3A_13 = arith.muli %add3A, %mul3A_12 : i32
      "tpu.region"() ({
        %run_scoped3A = tpu.sem_alloc : memref<!tpu.dma_semaphore, #tpu.memory_space<semaphore_mem>>
        %dma_start3A = arith.constant 0 : i32
        %dma_start3A_14 = tpu.memref_slice %arg5[%mul3A_13, %dma_start3A] : memref<100000x3xf32, #tpu.memory_space<hbm>> -> memref<3200x3xf32, #tpu.memory_space<hbm>>
        tpu.enqueue_dma source(%arg3 : memref<3200x3xf32, #tpu.memory_space<hbm>>) target(%dma_start3A_14 : memref<3200x3xf32, #tpu.memory_space<hbm>>) target_semaphore(%run_scoped3A : memref<!tpu.dma_semaphore, #tpu.memory_space<semaphore_mem>>)
        %dma_wait3A = arith.constant 0 : i32
        %dma_wait3A_15 = tpu.memref_slice %arg5[%mul3A_13, %dma_wait3A] : memref<100000x3xf32, #tpu.memory_space<hbm>> -> memref<3200x3xf32, #tpu.memory_space<hbm>>
        tpu.wait_dma2 semaphore(%run_scoped3A : memref<!tpu.dma_semaphore, #tpu.memory_space<semaphore_mem>>) src(%arg3 : memref<3200x3xf32, #tpu.memory_space<hbm>>) dst(%dma_wait3A_15 : memref<3200x3xf32, #tpu.memory_space<hbm>>)
        tpu.yield
      }) : () -> ()
    } else {
    }
    %eq3A = arith.constant 31 : i32
    %eq3A_3 = arith.cmpi eq, %add3A, %eq3A : i32
    %convert_element_type3A_4 = arith.extui %eq3A_3 : i1 to i32
    %cond3A_5 = arith.constant 0 : i32
    %cond3A_6 = arith.cmpi ne, %convert_element_type3A_4, %cond3A_5 : i32
    scf.if %cond3A_6 {
      "tpu.region"() ({
        %run_scoped3A = tpu.sem_alloc : memref<!tpu.dma_semaphore, #tpu.memory_space<semaphore_mem>>
        %dma_start3A = arith.constant 99200 : i32
        %dma_start3A_12 = arith.constant 0 : i32
        %dma_start3A_13 = tpu.memref_slice %arg5[%dma_start3A, %dma_start3A_12] : memref<100000x3xf32, #tpu.memory_space<hbm>> -> memref<800x3xf32, #tpu.memory_space<hbm>>
        %dma_start3A_14 = arith.constant 0 : i32
        %dma_start3A_15 = arith.constant 0 : i32
        %dma_start3A_16 = tpu.memref_slice %arg3[%dma_start3A_14, %dma_start3A_15] : memref<3200x3xf32, #tpu.memory_space<hbm>> -> memref<800x3xf32, #tpu.memory_space<hbm>>
        tpu.enqueue_dma source(%dma_start3A_16 : memref<800x3xf32, #tpu.memory_space<hbm>>) target(%dma_start3A_13 : memref<800x3xf32, #tpu.memory_space<hbm>>) target_semaphore(%run_scoped3A : memref<!tpu.dma_semaphore, #tpu.memory_space<semaphore_mem>>)
        %dma_wait3A = arith.constant 99200 : i32
        %dma_wait3A_17 = arith.constant 0 : i32
        %dma_wait3A_18 = tpu.memref_slice %arg5[%dma_wait3A, %dma_wait3A_17] : memref<100000x3xf32, #tpu.memory_space<hbm>> -> memref<800x3xf32, #tpu.memory_space<hbm>>
        %dma_wait3A_19 = arith.constant 0 : i32
        %dma_wait3A_20 = arith.constant 0 : i32
        %dma_wait3A_21 = tpu.memref_slice %arg3[%dma_wait3A_19, %dma_wait3A_20] : memref<3200x3xf32, #tpu.memory_space<hbm>> -> memref<800x3xf32, #tpu.memory_space<hbm>>
        tpu.wait_dma2 semaphore(%run_scoped3A : memref<!tpu.dma_semaphore, #tpu.memory_space<semaphore_mem>>) src(%dma_wait3A_21 : memref<800x3xf32, #tpu.memory_space<hbm>>) dst(%dma_wait3A_18 : memref<800x3xf32, #tpu.memory_space<hbm>>)
        tpu.yield
      }) : () -> ()
    } else {
    }
    %eq3A_7 = arith.constant 0 : i32
    %eq3A_8 = arith.cmpi eq, %add3A, %eq3A_7 : i32
    %convert_element_type3A_9 = arith.extui %eq3A_8 : i1 to i32
    %cond3A_10 = arith.constant 0 : i32
    %cond3A_11 = arith.cmpi ne, %convert_element_type3A_9, %cond3A_10 : i32
    scf.if %cond3A_11 {
      "tpu.region"() ({
        %run_scoped3A = tpu.sem_alloc : memref<!tpu.dma_semaphore, #tpu.memory_space<semaphore_mem>>
        %dma_start3A = arith.constant 0 : i32
        %dma_start3A_751 = arith.constant 0 : i32
        %dma_start3A_752 = tpu.memref_slice %arg2[%dma_start3A, %dma_start3A_751] : memref<100000x3xf32, #tpu.memory_space<hbm>> -> memref<8x3xf32, #tpu.memory_space<hbm>>
        %dma_start3A_753 = arith.constant 0 : i32
        %dma_start3A_754 = arith.constant 0 : i32
        %dma_start3A_755 = tpu.memref_slice %arg2[%dma_start3A_753, %dma_start3A_754] : memref<100000x3xf32, #tpu.memory_space<hbm>> -> memref<8x3xf32, #tpu.memory_space<hbm>>
        tpu.enqueue_dma source(%dma_start3A_755 : memref<8x3xf32, #tpu.memory_space<hbm>>) target(%arg6 : memref<8x3xf32, #tpu.memory_space<vmem>>) target_semaphore(%run_scoped3A : memref<!tpu.dma_semaphore, #tpu.memory_space<semaphore_mem>>)
        %dma_wait3A = arith.constant 0 : i32
        %dma_wait3A_756 = arith.constant 0 : i32
        %dma_wait3A_757 = tpu.memref_slice %arg2[%dma_wait3A, %dma_wait3A_756] : memref<100000x3xf32, #tpu.memory_space<hbm>> -> memref<8x3xf32, #tpu.memory_space<hbm>>
        %dma_wait3A_758 = arith.constant 0 : i32
        %dma_wait3A_759 = arith.constant 0 : i32
        %dma_wait3A_760 = tpu.memref_slice %arg2[%dma_wait3A_758, %dma_wait3A_759] : memref<100000x3xf32, #tpu.memory_space<hbm>> -> memref<8x3xf32, #tpu.memory_space<hbm>>
        tpu.wait_dma2 semaphore(%run_scoped3A : memref<!tpu.dma_semaphore, #tpu.memory_space<semaphore_mem>>) src(%dma_wait3A_760 : memref<8x3xf32, #tpu.memory_space<hbm>>) dst(%arg6 : memref<8x3xf32, #tpu.memory_space<vmem>>)
        tpu.yield
      }) : () -> ()
      %iota3A = tpu.iota {dimensions = array<i32: 0>} : vector<16xi32>
      %broadcast_in_dim3A = arith.constant 0 : i32
      %broadcast_in_dim3A_12 = vector.broadcast %broadcast_in_dim3A : i32 to vector<16xi32>
      %broadcast_in_dim3A_13 = arith.constant 0 : i32
      %broadcast_in_dim3A_14 = vector.broadcast %broadcast_in_dim3A_13 : i32 to vector<16xi32>
      %gather3A = tpu.vector_load_idx %arg6[%broadcast_in_dim3A_12, %broadcast_in_dim3A_14] : memref<8x3xf32, #tpu.memory_space<vmem>>[vector<16xi32>, vector<16xi32>], vector<16xf32>,
      %broadcast_in_dim3A_15 = arith.constant 0 : i32
      %broadcast_in_dim3A_16 = vector.broadcast %broadcast_in_dim3A_15 : i32 to vector<16xi32>
      %broadcast_in_dim3A_17 = arith.constant 1 : i32
      %broadcast_in_dim3A_18 = vector.broadcast %broadcast_in_dim3A_17 : i32 to vector<16xi32>
      %gather3A_19 = tpu.vector_load_idx %arg6[%broadcast_in_dim3A_16, %broadcast_in_dim3A_18] : memref<8x3xf32, #tpu.memory_space<vmem>>[vector<16xi32>, vector<16xi32>], vector<16xf32>,
      %broadcast_in_dim3A_20 = arith.constant 0 : i32
      %broadcast_in_dim3A_21 = vector.broadcast %broadcast_in_dim3A_20 : i32 to vector<16xi32>
      %broadcast_in_dim3A_22 = arith.constant 2 : i32
      %broadcast_in_dim3A_23 = vector.broadcast %broadcast_in_dim3A_22 : i32 to vector<16xi32>
      %gather3A_24 = tpu.vector_load_idx %arg6[%broadcast_in_dim3A_21, %broadcast_in_dim3A_23] : memref<8x3xf32, #tpu.memory_space<vmem>>[vector<16xi32>, vector<16xi32>], vector<16xf32>,
      %broadcast_in_dim3A_25 = arith.constant 1 : i32
      %broadcast_in_dim3A_26 = vector.broadcast %broadcast_in_dim3A_25 : i32 to vector<16xi32>
      %broadcast_in_dim3A_27 = arith.constant 0 : i32
      %broadcast_in_dim3A_28 = vector.broadcast %broadcast_in_dim3A_27 : i32 to vector<16xi32>
      %gather3A_29 = tpu.vector_load_idx %arg6[%broadcast_in_dim3A_26, %broadcast_in_dim3A_28] : memref<8x3xf32, #tpu.memory_space<vmem>>[vector<16xi32>, vector<16xi32>], vector<16xf32>,
      %broadcast_in_dim3A_30 = arith.constant 1 : i32
      %broadcast_in_dim3A_31 = vector.broadcast %broadcast_in_dim3A_30 : i32 to vector<16xi32>
      %broadcast_in_dim3A_32 = arith.constant 1 : i32
      %broadcast_in_dim3A_33 = vector.broadcast %broadcast_in_dim3A_32 : i32 to vector<16xi32>
      %gather3A_34 = tpu.vector_load_idx %arg6[%broadcast_in_dim3A_31, %broadcast_in_dim3A_33] : memref<8x3xf32, #tpu.memory_space<vmem>>[vector<16xi32>, vector<16xi32>], vector<16xf32>,
      %broadcast_in_dim3A_35 = arith.constant 1 : i32
      %broadcast_in_dim3A_36 = vector.broadcast %broadcast_in_dim3A_35 : i32 to vector<16xi32>
      %broadcast_in_dim3A_37 = arith.constant 2 : i32
      %broadcast_in_dim3A_38 = vector.broadcast %broadcast_in_dim3A_37 : i32 to vector<16xi32>
      %gather3A_39 = tpu.vector_load_idx %arg6[%broadcast_in_dim3A_36, %broadcast_in_dim3A_38] : memref<8x3xf32, #tpu.memory_space<vmem>>[vector<16xi32>, vector<16xi32>], vector<16xf32>,
      %broadcast_in_dim3A_40 = arith.constant 2 : i32
      %broadcast_in_dim3A_41 = vector.broadcast %broadcast_in_dim3A_40 : i32 to vector<16xi32>
      %broadcast_in_dim3A_42 = arith.constant 0 : i32
      %broadcast_in_dim3A_43 = vector.broadcast %broadcast_in_dim3A_42 : i32 to vector<16xi32>
      %gather3A_44 = tpu.vector_load_idx %arg6[%broadcast_in_dim3A_41, %broadcast_in_dim3A_43] : memref<8x3xf32, #tpu.memory_space<vmem>>[vector<16xi32>, vector<16xi32>], vector<16xf32>,
      %broadcast_in_dim3A_45 = arith.constant 2 : i32
      %broadcast_in_dim3A_46 = vector.broadcast %broadcast_in_dim3A_45 : i32 to vector<16xi32>
      %broadcast_in_dim3A_47 = arith.constant 1 : i32
      %broadcast_in_dim3A_48 = vector.broadcast %broadcast_in_dim3A_47 : i32 to vector<16xi32>
      %gather3A_49 = tpu.vector_load_idx %arg6[%broadcast_in_dim3A_46, %broadcast_in_dim3A_48] : memref<8x3xf32, #tpu.memory_space<vmem>>[vector<16xi32>, vector<16xi32>], vector<16xf32>,
      %broadcast_in_dim3A_50 = arith.constant 2 : i32
      %broadcast_in_dim3A_51 = vector.broadcast %broadcast_in_dim3A_50 : i32 to vector<16xi32>
      %broadcast_in_dim3A_52 = arith.constant 2 : i32
      %broadcast_in_dim3A_53 = vector.broadcast %broadcast_in_dim3A_52 : i32 to vector<16xi32>
      %gather3A_54 = tpu.vector_load_idx %arg6[%broadcast_in_dim3A_51, %broadcast_in_dim3A_53] : memref<8x3xf32, #tpu.memory_space<vmem>>[vector<16xi32>, vector<16xi32>], vector<16xf32>,
      %broadcast_in_dim3A_55 = arith.constant 3 : i32
      %broadcast_in_dim3A_56 = vector.broadcast %broadcast_in_dim3A_55 : i32 to vector<16xi32>
      %broadcast_in_dim3A_57 = arith.constant 0 : i32
      %broadcast_in_dim3A_58 = vector.broadcast %broadcast_in_dim3A_57 : i32 to vector<16xi32>
      %gather3A_59 = tpu.vector_load_idx %arg6[%broadcast_in_dim3A_56, %broadcast_in_dim3A_58] : memref<8x3xf32, #tpu.memory_space<vmem>>[vector<16xi32>, vector<16xi32>], vector<16xf32>,
      %broadcast_in_dim3A_60 = arith.constant 3 : i32
      %broadcast_in_dim3A_61 = vector.broadcast %broadcast_in_dim3A_60 : i32 to vector<16xi32>
      %broadcast_in_dim3A_62 = arith.constant 1 : i32
      %broadcast_in_dim3A_63 = vector.broadcast %broadcast_in_dim3A_62 : i32 to vector<16xi32>
      %gather3A_64 = tpu.vector_load_idx %arg6[%broadcast_in_dim3A_61, %broadcast_in_dim3A_63] : memref<8x3xf32, #tpu.memory_space<vmem>>[vector<16xi32>, vector<16xi32>], vector<16xf32>,
      %broadcast_in_dim3A_65 = arith.constant 3 : i32
      %broadcast_in_dim3A_66 = vector.broadcast %broadcast_in_dim3A_65 : i32 to vector<16xi32>
      %broadcast_in_dim3A_67 = arith.constant 2 : i32
      %broadcast_in_dim3A_68 = vector.broadcast %broadcast_in_dim3A_67 : i32 to vector<16xi32>
      %gather3A_69 = tpu.vector_load_idx %arg6[%broadcast_in_dim3A_66, %broadcast_in_dim3A_68] : memref<8x3xf32, #tpu.memory_space<vmem>>[vector<16xi32>, vector<16xi32>], vector<16xf32>,
      %sub3A = arith.subf %gather3A, %gather3A_29 : vector<16xf32>
      %sub3A_70 = arith.subf %gather3A_19, %gather3A_34 : vector<16xf32>
      %sub3A_71 = arith.subf %gather3A_24, %gather3A_39 : vector<16xf32>
      %sub3A_72 = arith.subf %gather3A_44, %gather3A_29 : vector<16xf32>
      %sub3A_73 = arith.subf %gather3A_49, %gather3A_34 : vector<16xf32>
      %sub3A_74 = arith.subf %gather3A_54, %gather3A_39 : vector<16xf32>
      %sub3A_75 = arith.subf %gather3A_59, %gather3A_44 : vector<16xf32>
      %sub3A_76 = arith.subf %gather3A_64, %gather3A_49 : vector<16xf32>
      %sub3A_77 = arith.subf %gather3A_69, %gather3A_54 : vector<16xf32>
      %mul3A_78 = arith.mulf %sub3A_72, %sub3A_72 : vector<16xf32>
      %mul3A_79 = arith.mulf %sub3A_73, %sub3A_73 : vector<16xf32>
      %add3A_80 = arith.addf %mul3A_78, %mul3A_79 : vector<16xf32>
      %mul3A_81 = arith.mulf %sub3A_74, %sub3A_74 : vector<16xf32>
      %add3A_82 = arith.addf %add3A_80, %mul3A_81 : vector<16xf32>
      %bitcast_convert_type3A = tpu.bitcast %add3A_82 : vector<16xf32> -> vector<16xi32>
      %shift_right_logical3A = arith.constant 1 : i32
      %shift_right_logical3A_83 = vector.broadcast %shift_right_logical3A : i32 to vector<16xi32>
      %shift_right_logical3A_84 = arith.shrui %bitcast_convert_type3A, %shift_right_logical3A_83 : vector<16xi32>
      %sub3A_85 = arith.constant 1597463007 : i32
      %sub3A_86 = vector.broadcast %sub3A_85 : i32 to vector<16xi32>
      %sub3A_87 = arith.subi %sub3A_86, %shift_right_logical3A_84 : vector<16xi32>
      %bitcast_convert_type3A_88 = tpu.bitcast %sub3A_87 : vector<16xi32> -> vector<16xf32>
      %mul3A_89 = arith.constant 5.000000e-01 : f32
      %mul3A_90 = vector.broadcast %mul3A_89 : f32 to vector<16xf32>
      %mul3A_91 = arith.mulf %mul3A_90, %add3A_82 : vector<16xf32>
      %mul3A_92 = arith.mulf %mul3A_91, %bitcast_convert_type3A_88 : vector<16xf32>
      %mul3A_93 = arith.mulf %mul3A_92, %bitcast_convert_type3A_88 : vector<16xf32>
      %sub3A_94 = arith.constant 1.500000e+00 : f32
      %sub3A_95 = vector.broadcast %sub3A_94 : f32 to vector<16xf32>
      %sub3A_96 = arith.subf %sub3A_95, %mul3A_93 : vector<16xf32>
      %mul3A_97 = arith.mulf %bitcast_convert_type3A_88, %sub3A_96 : vector<16xf32>
      %mul3A_98 = arith.constant 5.000000e-01 : f32
      %mul3A_99 = vector.broadcast %mul3A_98 : f32 to vector<16xf32>
      %mul3A_100 = arith.mulf %mul3A_99, %add3A_82 : vector<16xf32>
      %mul3A_101 = arith.mulf %mul3A_100, %mul3A_97 : vector<16xf32>
      %mul3A_102 = arith.mulf %mul3A_101, %mul3A_97 : vector<16xf32>
      %sub3A_103 = arith.constant 1.500000e+00 : f32
      %sub3A_104 = vector.broadcast %sub3A_103 : f32 to vector<16xf32>
      %sub3A_105 = arith.subf %sub3A_104, %mul3A_102 : vector<16xf32>
      %mul3A_106 = arith.mulf %mul3A_97, %sub3A_105 : vector<16xf32>
      %mul3A_107 = arith.constant 5.000000e-01 : f32
      %mul3A_108 = vector.broadcast %mul3A_107 : f32 to vector<16xf32>
      %mul3A_109 = arith.mulf %mul3A_108, %add3A_82 : vector<16xf32>
      %mul3A_110 = arith.mulf %mul3A_109, %mul3A_106 : vector<16xf32>
      %mul3A_111 = arith.mulf %mul3A_110, %mul3A_106 : vector<16xf32>
      %sub3A_112 = arith.constant 1.500000e+00 : f32
      %sub3A_113 = vector.broadcast %sub3A_112 : f32 to vector<16xf32>
      %sub3A_114 = arith.subf %sub3A_113, %mul3A_111 : vector<16xf32>
      %mul3A_115 = arith.mulf %mul3A_106, %sub3A_114 : vector<16xf32>
      %mul3A_116 = arith.constant 5.000000e-01 : f32
      %mul3A_117 = vector.broadcast %mul3A_116 : f32 to vector<16xf32>
      %mul3A_118 = arith.mulf %mul3A_117, %add3A_82 : vector<16xf32>
      %mul3A_119 = arith.mulf %mul3A_118, %mul3A_115 : vector<16xf32>
      %mul3A_120 = arith.mulf %mul3A_119, %mul3A_115 : vector<16xf32>
      %sub3A_121 = arith.constant 1.500000e+00 : f32
      %sub3A_122 = vector.broadcast %sub3A_121 : f32 to vector<16xf32>
      %sub3A_123 = arith.subf %sub3A_122, %mul3A_120 : vector<16xf32>
      %mul3A_124 = arith.mulf %mul3A_115, %sub3A_123 : vector<16xf32>
      %mul3A_125 = arith.mulf %sub3A_72, %mul3A_124 : vector<16xf32>
      %mul3A_126 = arith.mulf %sub3A_73, %mul3A_124 : vector<16xf32>
      %mul3A_127 = arith.mulf %sub3A_74, %mul3A_124 : vector<16xf32>
      %mul3A_128 = arith.mulf %sub3A, %mul3A_125 : vector<16xf32>
      %mul3A_129 = arith.mulf %sub3A_70, %mul3A_126 : vector<16xf32>
      %add3A_130 = arith.addf %mul3A_128, %mul3A_129 : vector<16xf32>
      %mul3A_131 = arith.mulf %sub3A_71, %mul3A_127 : vector<16xf32>
      %add3A_132 = arith.addf %add3A_130, %mul3A_131 : vector<16xf32>
      %mul3A_133 = arith.mulf %add3A_132, %mul3A_125 : vector<16xf32>
      %sub3A_134 = arith.subf %sub3A, %mul3A_133 : vector<16xf32>
      %mul3A_135 = arith.mulf %add3A_132, %mul3A_126 : vector<16xf32>
      %sub3A_136 = arith.subf %sub3A_70, %mul3A_135 : vector<16xf32>
      %mul3A_137 = arith.mulf %add3A_132, %mul3A_127 : vector<16xf32>
      %sub3A_138 = arith.subf %sub3A_71, %mul3A_137 : vector<16xf32>
      %mul3A_139 = arith.mulf %sub3A_75, %mul3A_125 : vector<16xf32>
      %mul3A_140 = arith.mulf %sub3A_76, %mul3A_126 : vector<16xf32>
      %add3A_141 = arith.addf %mul3A_139, %mul3A_140 : vector<16xf32>
      %mul3A_142 = arith.mulf %sub3A_77, %mul3A_127 : vector<16xf32>
      %add3A_143 = arith.addf %add3A_141, %mul3A_142 : vector<16xf32>
      %mul3A_144 = arith.mulf %add3A_143, %mul3A_125 : vector<16xf32>
      %sub3A_145 = arith.subf %sub3A_75, %mul3A_144 : vector<16xf32>
      %mul3A_146 = arith.mulf %add3A_143, %mul3A_126 : vector<16xf32>
      %sub3A_147 = arith.subf %sub3A_76, %mul3A_146 : vector<16xf32>
      %mul3A_148 = arith.mulf %add3A_143, %mul3A_127 : vector<16xf32>
      %sub3A_149 = arith.subf %sub3A_77, %mul3A_148 : vector<16xf32>
      %mul3A_150 = arith.mulf %mul3A_126, %sub3A_138 : vector<16xf32>
      %mul3A_151 = arith.mulf %mul3A_127, %sub3A_136 : vector<16xf32>
      %sub3A_152 = arith.subf %mul3A_150, %mul3A_151 : vector<16xf32>
      %mul3A_153 = arith.mulf %mul3A_127, %sub3A_134 : vector<16xf32>
      %mul3A_154 = arith.mulf %mul3A_125, %sub3A_138 : vector<16xf32>
      %sub3A_155 = arith.subf %mul3A_153, %mul3A_154 : vector<16xf32>
      %mul3A_156 = arith.mulf %mul3A_125, %sub3A_136 : vector<16xf32>
      %mul3A_157 = arith.mulf %mul3A_126, %sub3A_134 : vector<16xf32>
      %sub3A_158 = arith.subf %mul3A_156, %mul3A_157 : vector<16xf32>
      %mul3A_159 = arith.mulf %sub3A_152, %sub3A_145 : vector<16xf32>
      %mul3A_160 = arith.mulf %sub3A_155, %sub3A_147 : vector<16xf32>
      %add3A_161 = arith.addf %mul3A_159, %mul3A_160 : vector<16xf32>
      %mul3A_162 = arith.mulf %sub3A_158, %sub3A_149 : vector<16xf32>
      %add3A_163 = arith.addf %add3A_161, %mul3A_162 : vector<16xf32>
      %mul3A_164 = arith.mulf %sub3A_134, %sub3A_145 : vector<16xf32>
      %mul3A_165 = arith.mulf %sub3A_136, %sub3A_147 : vector<16xf32>
      %add3A_166 = arith.addf %mul3A_164, %mul3A_165 : vector<16xf32>
      %mul3A_167 = arith.mulf %sub3A_138, %sub3A_149 : vector<16xf32>
      %add3A_168 = arith.addf %add3A_166, %mul3A_167 : vector<16xf32>
      %abs3A = math.absf %add3A_163 : vector<16xf32>
      %ge3A = arith.constant 0.000000e+00 : f32
      %ge3A_169 = vector.broadcast %ge3A : f32 to vector<16xf32>
      %ge3A_170 = arith.cmpf oge, %add3A_163, %ge3A_169 : vector<16xf32>
      %abs3A_171 = math.absf %add3A_168 : vector<16xf32>
      %ge3A_172 = arith.constant 0.000000e+00 : f32
      %ge3A_173 = vector.broadcast %ge3A_172 : f32 to vector<16xf32>
      %ge3A_174 = arith.cmpf oge, %add3A_168, %ge3A_173 : vector<16xf32>
      %min3A = arith.minimumf %abs3A, %abs3A_171 : vector<16xf32>
      %eq3A_175 = arith.cmpf oeq, %abs3A, %min3A : vector<16xf32>
      %broadcast_in_dim3A_176 = arith.constant 1.000000e+00 : f32
      %broadcast_in_dim3A_177 = vector.broadcast %broadcast_in_dim3A_176 : f32 to vector<16xf32>
      %broadcast_in_dim3A_178 = arith.constant 0.000000e+00 : f32
      %broadcast_in_dim3A_179 = vector.broadcast %broadcast_in_dim3A_178 : f32 to vector<16xf32>
      %select_n3A = arith.select %eq3A_175, %broadcast_in_dim3A_177, %broadcast_in_dim3A_179 : vector<16xi1>, vector<16xf32>
      %eq3A_180 = arith.cmpf oeq, %abs3A_171, %min3A : vector<16xf32>
      %broadcast_in_dim3A_181 = arith.constant 2.000000e+00 : f32
      %broadcast_in_dim3A_182 = vector.broadcast %broadcast_in_dim3A_181 : f32 to vector<16xf32>
      %broadcast_in_dim3A_183 = arith.constant 1.000000e+00 : f32
      %broadcast_in_dim3A_184 = vector.broadcast %broadcast_in_dim3A_183 : f32 to vector<16xf32>
      %select_n3A_185 = arith.select %eq3A_180, %broadcast_in_dim3A_182, %broadcast_in_dim3A_184 : vector<16xi1>, vector<16xf32>
      %div3A = arith.divf %select_n3A, %select_n3A_185 : vector<16xf32>
      %eq3A_186 = arith.cmpf oeq, %abs3A_171, %min3A : vector<16xf32>
      %broadcast_in_dim3A_187 = arith.constant 1.000000e+00 : f32
      %broadcast_in_dim3A_188 = vector.broadcast %broadcast_in_dim3A_187 : f32 to vector<16xf32>
      %broadcast_in_dim3A_189 = arith.constant 0.000000e+00 : f32
      %broadcast_in_dim3A_190 = vector.broadcast %broadcast_in_dim3A_189 : f32 to vector<16xf32>
      %select_n3A_191 = arith.select %eq3A_186, %broadcast_in_dim3A_188, %broadcast_in_dim3A_190 : vector<16xi1>, vector<16xf32>
      %eq3A_192 = arith.cmpf oeq, %abs3A, %min3A : vector<16xf32>
      %broadcast_in_dim3A_193 = arith.constant 2.000000e+00 : f32
      %broadcast_in_dim3A_194 = vector.broadcast %broadcast_in_dim3A_193 : f32 to vector<16xf32>
      %broadcast_in_dim3A_195 = arith.constant 1.000000e+00 : f32
      %broadcast_in_dim3A_196 = vector.broadcast %broadcast_in_dim3A_195 : f32 to vector<16xf32>
      %select_n3A_197 = arith.select %eq3A_192, %broadcast_in_dim3A_194, %broadcast_in_dim3A_196 : vector<16xi1>, vector<16xf32>
      %div3A_198 = arith.divf %select_n3A_191, %select_n3A_197 : vector<16xf32>
      %max3A = arith.maximumf %abs3A, %abs3A_171 : vector<16xf32>
      %eq3A_199 = arith.cmpf oeq, %abs3A, %max3A : vector<16xf32>
      %broadcast_in_dim3A_200 = arith.constant 1.000000e+00 : f32
      %broadcast_in_dim3A_201 = vector.broadcast %broadcast_in_dim3A_200 : f32 to vector<16xf32>
      %broadcast_in_dim3A_202 = arith.constant 0.000000e+00 : f32
      %broadcast_in_dim3A_203 = vector.broadcast %broadcast_in_dim3A_202 : f32 to vector<16xf32>
      %select_n3A_204 = arith.select %eq3A_199, %broadcast_in_dim3A_201, %broadcast_in_dim3A_203 : vector<16xi1>, vector<16xf32>
      %eq3A_205 = arith.cmpf oeq, %abs3A_171, %max3A : vector<16xf32>
      %broadcast_in_dim3A_206 = arith.constant 2.000000e+00 : f32
      %broadcast_in_dim3A_207 = vector.broadcast %broadcast_in_dim3A_206 : f32 to vector<16xf32>
      %broadcast_in_dim3A_208 = arith.constant 1.000000e+00 : f32
      %broadcast_in_dim3A_209 = vector.broadcast %broadcast_in_dim3A_208 : f32 to vector<16xf32>
      %select_n3A_210 = arith.select %eq3A_205, %broadcast_in_dim3A_207, %broadcast_in_dim3A_209 : vector<16xi1>, vector<16xf32>
      %div3A_211 = arith.divf %select_n3A_204, %select_n3A_210 : vector<16xf32>
      %eq3A_212 = arith.cmpf oeq, %abs3A_171, %max3A : vector<16xf32>
      %broadcast_in_dim3A_213 = arith.constant 1.000000e+00 : f32
      %broadcast_in_dim3A_214 = vector.broadcast %broadcast_in_dim3A_213 : f32 to vector<16xf32>
      %broadcast_in_dim3A_215 = arith.constant 0.000000e+00 : f32
      %broadcast_in_dim3A_216 = vector.broadcast %broadcast_in_dim3A_215 : f32 to vector<16xf32>
      %select_n3A_217 = arith.select %eq3A_212, %broadcast_in_dim3A_214, %broadcast_in_dim3A_216 : vector<16xi1>, vector<16xf32>
      %eq3A_218 = arith.cmpf oeq, %abs3A, %max3A : vector<16xf32>
      %broadcast_in_dim3A_219 = arith.constant 2.000000e+00 : f32
      %broadcast_in_dim3A_220 = vector.broadcast %broadcast_in_dim3A_219 : f32 to vector<16xf32>
      %broadcast_in_dim3A_221 = arith.constant 1.000000e+00 : f32
      %broadcast_in_dim3A_222 = vector.broadcast %broadcast_in_dim3A_221 : f32 to vector<16xf32>
      %select_n3A_223 = arith.select %eq3A_218, %broadcast_in_dim3A_220, %broadcast_in_dim3A_222 : vector<16xi1>, vector<16xf32>
      %div3A_224 = arith.divf %select_n3A_217, %select_n3A_223 : vector<16xf32>
      %bitcast_convert_type3A_225 = tpu.bitcast %max3A : vector<16xf32> -> vector<16xi32>
      %sub3A_226 = arith.constant 2129859011 : i32
      %sub3A_227 = vector.broadcast %sub3A_226 : i32 to vector<16xi32>
      %sub3A_228 = arith.subi %sub3A_227, %bitcast_convert_type3A_225 : vector<16xi32>
      %bitcast_convert_type3A_229 = tpu.bitcast %sub3A_228 : vector<16xi32> -> vector<16xf32>
      %mul3A_230 = arith.mulf %max3A, %bitcast_convert_type3A_229 : vector<16xf32>
      %sub3A_231 = arith.constant 2.000000e+00 : f32
      %sub3A_232 = vector.broadcast %sub3A_231 : f32 to vector<16xf32>
      %sub3A_233 = arith.subf %sub3A_232, %mul3A_230 : vector<16xf32>
      %mul3A_234 = arith.mulf %bitcast_convert_type3A_229, %sub3A_233 : vector<16xf32>
      %mul3A_235 = arith.mulf %max3A, %mul3A_234 : vector<16xf32>
      %sub3A_236 = arith.constant 2.000000e+00 : f32
      %sub3A_237 = vector.broadcast %sub3A_236 : f32 to vector<16xf32>
      %sub3A_238 = arith.subf %sub3A_237, %mul3A_235 : vector<16xf32>
      %mul3A_239 = arith.mulf %mul3A_234, %sub3A_238 : vector<16xf32>
      %mul3A_240 = arith.mulf %max3A, %mul3A_239 : vector<16xf32>
      %sub3A_241 = arith.constant 2.000000e+00 : f32
      %sub3A_242 = vector.broadcast %sub3A_241 : f32 to vector<16xf32>
      %sub3A_243 = arith.subf %sub3A_242, %mul3A_240 : vector<16xf32>
      %mul3A_244 = arith.mulf %mul3A_239, %sub3A_243 : vector<16xf32>
      %mul3A_245 = arith.mulf %max3A, %mul3A_244 : vector<16xf32>
      %sub3A_246 = arith.constant 2.000000e+00 : f32
      %sub3A_247 = vector.broadcast %sub3A_246 : f32 to vector<16xf32>
      %sub3A_248 = arith.subf %sub3A_247, %mul3A_245 : vector<16xf32>
      %mul3A_249 = arith.mulf %mul3A_244, %sub3A_248 : vector<16xf32>
      %mul3A_250 = arith.mulf %min3A, %mul3A_249 : vector<16xf32>
      %mul3A_251 = arith.mulf %mul3A_250, %mul3A_250 : vector<16xf32>
      %mul3A_252 = arith.constant 0.00108449277 : f32
      %mul3A_253 = vector.broadcast %mul3A_252 : f32 to vector<16xf32>
      %mul3A_254 = arith.mulf %mul3A_253, %mul3A_251 : vector<16xf32>
      %add3A_255 = arith.constant -0.00716616493 : f32
      %add3A_256 = vector.broadcast %add3A_255 : f32 to vector<16xf32>
      %add3A_257 = arith.addf %mul3A_254, %add3A_256 : vector<16xf32>
      %mul3A_258 = arith.mulf %add3A_257, %mul3A_251 : vector<16xf32>
      %add3A_259 = arith.constant 0.0222034547 : f32
      %add3A_260 = vector.broadcast %add3A_259 : f32 to vector<16xf32>
      %add3A_261 = arith.addf %mul3A_258, %add3A_260 : vector<16xf32>
      %mul3A_262 = arith.mulf %add3A_261, %mul3A_251 : vector<16xf32>
      %add3A_263 = arith.constant -0.044273667 : f32
      %add3A_264 = vector.broadcast %add3A_263 : f32 to vector<16xf32>
      %add3A_265 = arith.addf %mul3A_262, %add3A_264 : vector<16xf32>
      %mul3A_266 = arith.mulf %add3A_265, %mul3A_251 : vector<16xf32>
      %add3A_267 = arith.constant 0.0671011433 : f32
      %add3A_268 = vector.broadcast %add3A_267 : f32 to vector<16xf32>
      %add3A_269 = arith.addf %mul3A_266, %add3A_268 : vector<16xf32>
      %mul3A_270 = arith.mulf %add3A_269, %mul3A_251 : vector<16xf32>
      %add3A_271 = arith.constant -0.0879611745 : f32
      %add3A_272 = vector.broadcast %add3A_271 : f32 to vector<16xf32>
      %add3A_273 = arith.addf %mul3A_270, %add3A_272 : vector<16xf32>
      %mul3A_274 = arith.mulf %add3A_273, %mul3A_251 : vector<16xf32>
      %add3A_275 = arith.constant 0.110537849 : f32
      %add3A_276 = vector.broadcast %add3A_275 : f32 to vector<16xf32>
      %add3A_277 = arith.addf %mul3A_274, %add3A_276 : vector<16xf32>
      %mul3A_278 = arith.mulf %add3A_277, %mul3A_251 : vector<16xf32>
      %add3A_279 = arith.constant -0.142790481 : f32
      %add3A_280 = vector.broadcast %add3A_279 : f32 to vector<16xf32>
      %add3A_281 = arith.addf %mul3A_278, %add3A_280 : vector<16xf32>
      %mul3A_282 = arith.mulf %add3A_281, %mul3A_251 : vector<16xf32>
      %add3A_283 = arith.constant 0.199995965 : f32
      %add3A_284 = vector.broadcast %add3A_283 : f32 to vector<16xf32>
      %add3A_285 = arith.addf %mul3A_282, %add3A_284 : vector<16xf32>
      %mul3A_286 = arith.mulf %add3A_285, %mul3A_251 : vector<16xf32>
      %add3A_287 = arith.constant -0.333333224 : f32
      %add3A_288 = vector.broadcast %add3A_287 : f32 to vector<16xf32>
      %add3A_289 = arith.addf %mul3A_286, %add3A_288 : vector<16xf32>
      %mul3A_290 = arith.mulf %add3A_289, %mul3A_251 : vector<16xf32>
      %add3A_291 = arith.constant 1.000000e+00 : f32
      %add3A_292 = vector.broadcast %add3A_291 : f32 to vector<16xf32>
      %add3A_293 = arith.addf %mul3A_290, %add3A_292 : vector<16xf32>
      %mul3A_294 = arith.mulf %mul3A_250, %add3A_293 : vector<16xf32>
      %gt3A = arith.cmpf ogt, %abs3A, %abs3A_171 : vector<16xf32>
      %sub3A_295 = arith.constant 1.57079637 : f32
      %sub3A_296 = vector.broadcast %sub3A_295 : f32 to vector<16xf32>
      %sub3A_297 = arith.subf %sub3A_296, %mul3A_294 : vector<16xf32>
      %select_n3A_298 = arith.select %gt3A, %sub3A_297, %mul3A_294 : vector<16xi1>, vector<16xf32>
      %lt3A_299 = arith.constant 0.000000e+00 : f32
      %lt3A_300 = vector.broadcast %lt3A_299 : f32 to vector<16xf32>
      %lt3A_301 = arith.cmpf olt, %add3A_168, %lt3A_300 : vector<16xf32>
      %sub3A_302 = arith.constant 3.14159274 : f32
      %sub3A_303 = vector.broadcast %sub3A_302 : f32 to vector<16xf32>
      %sub3A_304 = arith.subf %sub3A_303, %select_n3A_298 : vector<16xf32>
      %select_n3A_305 = arith.select %lt3A_301, %sub3A_304, %select_n3A_298 : vector<16xi1>, vector<16xf32>
      %lt3A_306 = arith.constant 0.000000e+00 : f32
      %lt3A_307 = vector.broadcast %lt3A_306 : f32 to vector<16xf32>
      %lt3A_308 = arith.cmpf olt, %add3A_163, %lt3A_307 : vector<16xf32>
      %neg3A = arith.constant 0.000000e+00 : f32
      %neg3A_309 = vector.broadcast %neg3A : f32 to vector<16xf32>
      %neg3A_310 = arith.subf %neg3A_309, %select_n3A_305 : vector<16xf32>
      %select_n3A_311 = arith.select %lt3A_308, %neg3A_310, %select_n3A_305 : vector<16xi1>, vector<16xf32>
      %broadcast_in_dim3A_312 = arith.constant 1.000000e+00 : f32
      %broadcast_in_dim3A_313 = vector.broadcast %broadcast_in_dim3A_312 : f32 to vector<16xf32>
      %broadcast_in_dim3A_314 = arith.constant 0.000000e+00 : f32
      %broadcast_in_dim3A_315 = vector.broadcast %broadcast_in_dim3A_314 : f32 to vector<16xf32>
      %select_n3A_316 = arith.select %lt3A_308, %broadcast_in_dim3A_315, %broadcast_in_dim3A_313 : vector<16xi1>, vector<16xf32>
      %select_n3A_317 = arith.select %lt3A_308, %broadcast_in_dim3A_313, %broadcast_in_dim3A_315 : vector<16xi1>, vector<16xf32>
      %neg3A_318 = arith.constant 0.000000e+00 : f32
      %neg3A_319 = vector.broadcast %neg3A_318 : f32 to vector<16xf32>
      %neg3A_320 = arith.subf %neg3A_319, %select_n3A_317 : vector<16xf32>
      %add3A_321 = arith.addf %select_n3A_316, %neg3A_320 : vector<16xf32>
      %broadcast_in_dim3A_322 = arith.constant 0.000000e+00 : f32
      %broadcast_in_dim3A_323 = vector.broadcast %broadcast_in_dim3A_322 : f32 to vector<16xf32>
      %select_n3A_324 = arith.select %lt3A_301, %broadcast_in_dim3A_323, %add3A_321 : vector<16xi1>, vector<16xf32>
      %select_n3A_325 = arith.select %lt3A_301, %add3A_321, %broadcast_in_dim3A_323 : vector<16xi1>, vector<16xf32>
      %neg3A_326 = arith.constant 0.000000e+00 : f32
      %neg3A_327 = vector.broadcast %neg3A_326 : f32 to vector<16xf32>
      %neg3A_328 = arith.subf %neg3A_327, %select_n3A_325 : vector<16xf32>
      %add3A_329 = arith.addf %select_n3A_324, %neg3A_328 : vector<16xf32>
      %broadcast_in_dim3A_330 = arith.constant 0.000000e+00 : f32
      %broadcast_in_dim3A_331 = vector.broadcast %broadcast_in_dim3A_330 : f32 to vector<16xf32>
      %select_n3A_332 = arith.select %gt3A, %broadcast_in_dim3A_331, %add3A_329 : vector<16xi1>, vector<16xf32>
      %select_n3A_333 = arith.select %gt3A, %add3A_329, %broadcast_in_dim3A_331 : vector<16xi1>, vector<16xf32>
      %neg3A_334 = arith.constant 0.000000e+00 : f32
      %neg3A_335 = vector.broadcast %neg3A_334 : f32 to vector<16xf32>
      %neg3A_336 = arith.subf %neg3A_335, %select_n3A_333 : vector<16xf32>
      %add3A_337 = arith.addf %select_n3A_332, %neg3A_336 : vector<16xf32>
      %mul3A_338 = arith.mulf %mul3A_250, %add3A_337 : vector<16xf32>
      %mul3A_339 = arith.mulf %add3A_337, %add3A_293 : vector<16xf32>
      %mul3A_340 = arith.mulf %add3A_289, %mul3A_338 : vector<16xf32>
      %mul3A_341 = arith.mulf %mul3A_338, %mul3A_251 : vector<16xf32>
      %mul3A_342 = arith.mulf %add3A_285, %mul3A_341 : vector<16xf32>
      %add3A_343 = arith.addf %mul3A_340, %mul3A_342 : vector<16xf32>
      %mul3A_344 = arith.mulf %mul3A_341, %mul3A_251 : vector<16xf32>
      %mul3A_345 = arith.mulf %add3A_281, %mul3A_344 : vector<16xf32>
      %add3A_346 = arith.addf %add3A_343, %mul3A_345 : vector<16xf32>
      %mul3A_347 = arith.mulf %mul3A_344, %mul3A_251 : vector<16xf32>
      %mul3A_348 = arith.mulf %add3A_277, %mul3A_347 : vector<16xf32>
      %add3A_349 = arith.addf %add3A_346, %mul3A_348 : vector<16xf32>
      %mul3A_350 = arith.mulf %mul3A_347, %mul3A_251 : vector<16xf32>
      %mul3A_351 = arith.mulf %add3A_273, %mul3A_350 : vector<16xf32>
      %add3A_352 = arith.addf %add3A_349, %mul3A_351 : vector<16xf32>
      %mul3A_353 = arith.mulf %mul3A_350, %mul3A_251 : vector<16xf32>
      %mul3A_354 = arith.mulf %add3A_269, %mul3A_353 : vector<16xf32>
      %add3A_355 = arith.addf %add3A_352, %mul3A_354 : vector<16xf32>
      %mul3A_356 = arith.mulf %mul3A_353, %mul3A_251 : vector<16xf32>
      %mul3A_357 = arith.mulf %add3A_265, %mul3A_356 : vector<16xf32>
      %add3A_358 = arith.addf %add3A_355, %mul3A_357 : vector<16xf32>
      %mul3A_359 = arith.mulf %mul3A_356, %mul3A_251 : vector<16xf32>
      %mul3A_360 = arith.mulf %add3A_261, %mul3A_359 : vector<16xf32>
      %add3A_361 = arith.addf %add3A_358, %mul3A_360 : vector<16xf32>
      %mul3A_362 = arith.mulf %mul3A_359, %mul3A_251 : vector<16xf32>
      %mul3A_363 = arith.mulf %add3A_257, %mul3A_362 : vector<16xf32>
      %add3A_364 = arith.addf %add3A_361, %mul3A_363 : vector<16xf32>
      %mul3A_365 = arith.mulf %mul3A_362, %mul3A_251 : vector<16xf32>
      %mul3A_366 = arith.constant 0.00108449277 : f32
      %mul3A_367 = vector.broadcast %mul3A_366 : f32 to vector<16xf32>
      %mul3A_368 = arith.mulf %mul3A_367, %mul3A_365 : vector<16xf32>
      %add3A_369 = arith.addf %add3A_364, %mul3A_368 : vector<16xf32>
      %mul3A_370 = arith.mulf %mul3A_250, %add3A_369 : vector<16xf32>
      %add3A_371 = arith.addf %mul3A_339, %mul3A_370 : vector<16xf32>
      %mul3A_372 = arith.mulf %add3A_369, %mul3A_250 : vector<16xf32>
      %add3A_373 = arith.addf %add3A_371, %mul3A_372 : vector<16xf32>
      %mul3A_374 = arith.mulf %min3A, %add3A_373 : vector<16xf32>
      %mul3A_375 = arith.mulf %add3A_373, %mul3A_249 : vector<16xf32>
      %mul3A_376 = arith.mulf %mul3A_244, %mul3A_374 : vector<16xf32>
      %mul3A_377 = arith.mulf %mul3A_374, %sub3A_248 : vector<16xf32>
      %neg3A_378 = arith.constant 0.000000e+00 : f32
      %neg3A_379 = vector.broadcast %neg3A_378 : f32 to vector<16xf32>
      %neg3A_380 = arith.subf %neg3A_379, %mul3A_376 : vector<16xf32>
      %mul3A_381 = arith.mulf %max3A, %neg3A_380 : vector<16xf32>
      %add3A_382 = arith.addf %mul3A_377, %mul3A_381 : vector<16xf32>
      %mul3A_383 = arith.mulf %neg3A_380, %mul3A_244 : vector<16xf32>
      %mul3A_384 = arith.mulf %mul3A_239, %add3A_382 : vector<16xf32>
      %mul3A_385 = arith.mulf %add3A_382, %sub3A_243 : vector<16xf32>
      %neg3A_386 = arith.constant 0.000000e+00 : f32
      %neg3A_387 = vector.broadcast %neg3A_386 : f32 to vector<16xf32>
      %neg3A_388 = arith.subf %neg3A_387, %mul3A_384 : vector<16xf32>
      %mul3A_389 = arith.mulf %max3A, %neg3A_388 : vector<16xf32>
      %add3A_390 = arith.addf %mul3A_385, %mul3A_389 : vector<16xf32>
      %mul3A_391 = arith.mulf %neg3A_388, %mul3A_239 : vector<16xf32>
      %add3A_392 = arith.addf %mul3A_383, %mul3A_391 : vector<16xf32>
      %mul3A_393 = arith.mulf %mul3A_234, %add3A_390 : vector<16xf32>
      %mul3A_394 = arith.mulf %add3A_390, %sub3A_238 : vector<16xf32>
      %neg3A_395 = arith.constant 0.000000e+00 : f32
      %neg3A_396 = vector.broadcast %neg3A_395 : f32 to vector<16xf32>
      %neg3A_397 = arith.subf %neg3A_396, %mul3A_393 : vector<16xf32>
      %mul3A_398 = arith.mulf %max3A, %neg3A_397 : vector<16xf32>
      %add3A_399 = arith.addf %mul3A_394, %mul3A_398 : vector<16xf32>
      %mul3A_400 = arith.mulf %neg3A_397, %mul3A_234 : vector<16xf32>
      %add3A_401 = arith.addf %add3A_392, %mul3A_400 : vector<16xf32>
      %mul3A_402 = arith.mulf %bitcast_convert_type3A_229, %add3A_399 : vector<16xf32>
      %neg3A_403 = arith.constant 0.000000e+00 : f32
      %neg3A_404 = vector.broadcast %neg3A_403 : f32 to vector<16xf32>
      %neg3A_405 = arith.subf %neg3A_404, %mul3A_402 : vector<16xf32>
      %mul3A_406 = arith.mulf %neg3A_405, %bitcast_convert_type3A_229 : vector<16xf32>
      %add3A_407 = arith.addf %add3A_401, %mul3A_406 : vector<16xf32>
      %mul3A_408 = arith.mulf %add3A_407, %div3A_224 : vector<16xf32>
      %mul3A_409 = arith.mulf %add3A_407, %div3A_211 : vector<16xf32>
      %mul3A_410 = arith.mulf %mul3A_375, %div3A_198 : vector<16xf32>
      %add3A_411 = arith.addf %mul3A_408, %mul3A_410 : vector<16xf32>
      %mul3A_412 = arith.mulf %mul3A_375, %div3A : vector<16xf32>
      %add3A_413 = arith.addf %mul3A_409, %mul3A_412 : vector<16xf32>
      %broadcast_in_dim3A_414 = arith.constant 0.000000e+00 : f32
      %broadcast_in_dim3A_415 = vector.broadcast %broadcast_in_dim3A_414 : f32 to vector<16xf32>
      %select_n3A_416 = arith.select %ge3A_174, %broadcast_in_dim3A_415, %add3A_411 : vector<16xi1>, vector<16xf32>
      %select_n3A_417 = arith.select %ge3A_174, %add3A_411, %broadcast_in_dim3A_415 : vector<16xi1>, vector<16xf32>
      %neg3A_418 = arith.constant 0.000000e+00 : f32
      %neg3A_419 = vector.broadcast %neg3A_418 : f32 to vector<16xf32>
      %neg3A_420 = arith.subf %neg3A_419, %select_n3A_416 : vector<16xf32>
      %add3A_421 = arith.addf %select_n3A_417, %neg3A_420 : vector<16xf32>
      %broadcast_in_dim3A_422 = arith.constant 0.000000e+00 : f32
      %broadcast_in_dim3A_423 = vector.broadcast %broadcast_in_dim3A_422 : f32 to vector<16xf32>
      %select_n3A_424 = arith.select %ge3A_170, %broadcast_in_dim3A_423, %add3A_413 : vector<16xi1>, vector<16xf32>
      %select_n3A_425 = arith.select %ge3A_170, %add3A_413, %broadcast_in_dim3A_423 : vector<16xi1>, vector<16xf32>
      %neg3A_426 = arith.constant 0.000000e+00 : f32
      %neg3A_427 = vector.broadcast %neg3A_426 : f32 to vector<16xf32>
      %neg3A_428 = arith.subf %neg3A_427, %select_n3A_424 : vector<16xf32>
      %add3A_429 = arith.addf %select_n3A_425, %neg3A_428 : vector<16xf32>
      %mul3A_430 = arith.mulf %sub3A_138, %add3A_421 : vector<16xf32>
      %mul3A_431 = arith.mulf %add3A_421, %sub3A_149 : vector<16xf32>
      %mul3A_432 = arith.mulf %sub3A_136, %add3A_421 : vector<16xf32>
      %mul3A_433 = arith.mulf %add3A_421, %sub3A_147 : vector<16xf32>
      %mul3A_434 = arith.mulf %sub3A_134, %add3A_421 : vector<16xf32>
      %mul3A_435 = arith.mulf %add3A_421, %sub3A_145 : vector<16xf32>
      %mul3A_436 = arith.mulf %sub3A_158, %add3A_429 : vector<16xf32>
      %add3A_437 = arith.addf %mul3A_430, %mul3A_436 : vector<16xf32>
      %mul3A_438 = arith.mulf %add3A_429, %sub3A_149 : vector<16xf32>
      %mul3A_439 = arith.mulf %sub3A_155, %add3A_429 : vector<16xf32>
      %add3A_440 = arith.addf %mul3A_432, %mul3A_439 : vector<16xf32>
      %mul3A_441 = arith.mulf %add3A_429, %sub3A_147 : vector<16xf32>
      %mul3A_442 = arith.mulf %sub3A_152, %add3A_429 : vector<16xf32>
      %add3A_443 = arith.addf %mul3A_434, %mul3A_442 : vector<16xf32>
      %mul3A_444 = arith.mulf %add3A_429, %sub3A_145 : vector<16xf32>
      %neg3A_445 = arith.constant 0.000000e+00 : f32
      %neg3A_446 = vector.broadcast %neg3A_445 : f32 to vector<16xf32>
      %neg3A_447 = arith.subf %neg3A_446, %mul3A_438 : vector<16xf32>
      %mul3A_448 = arith.mulf %mul3A_126, %neg3A_447 : vector<16xf32>
      %add3A_449 = arith.addf %mul3A_435, %mul3A_448 : vector<16xf32>
      %mul3A_450 = arith.mulf %neg3A_447, %sub3A_134 : vector<16xf32>
      %mul3A_451 = arith.mulf %mul3A_125, %mul3A_438 : vector<16xf32>
      %add3A_452 = arith.addf %mul3A_433, %mul3A_451 : vector<16xf32>
      %mul3A_453 = arith.mulf %mul3A_438, %sub3A_136 : vector<16xf32>
      %neg3A_454 = arith.constant 0.000000e+00 : f32
      %neg3A_455 = vector.broadcast %neg3A_454 : f32 to vector<16xf32>
      %neg3A_456 = arith.subf %neg3A_455, %mul3A_441 : vector<16xf32>
      %mul3A_457 = arith.mulf %mul3A_125, %neg3A_456 : vector<16xf32>
      %add3A_458 = arith.addf %mul3A_431, %mul3A_457 : vector<16xf32>
      %mul3A_459 = arith.mulf %neg3A_456, %sub3A_138 : vector<16xf32>
      %add3A_460 = arith.addf %mul3A_453, %mul3A_459 : vector<16xf32>
      %mul3A_461 = arith.mulf %mul3A_127, %mul3A_441 : vector<16xf32>
      %add3A_462 = arith.addf %add3A_449, %mul3A_461 : vector<16xf32>
      %mul3A_463 = arith.mulf %mul3A_441, %sub3A_134 : vector<16xf32>
      %neg3A_464 = arith.constant 0.000000e+00 : f32
      %neg3A_465 = vector.broadcast %neg3A_464 : f32 to vector<16xf32>
      %neg3A_466 = arith.subf %neg3A_465, %mul3A_444 : vector<16xf32>
      %mul3A_467 = arith.mulf %mul3A_127, %neg3A_466 : vector<16xf32>
      %add3A_468 = arith.addf %add3A_452, %mul3A_467 : vector<16xf32>
      %mul3A_469 = arith.mulf %neg3A_466, %sub3A_136 : vector<16xf32>
      %add3A_470 = arith.addf %mul3A_463, %mul3A_469 : vector<16xf32>
      %mul3A_471 = arith.mulf %mul3A_126, %mul3A_444 : vector<16xf32>
      %add3A_472 = arith.addf %add3A_458, %mul3A_471 : vector<16xf32>
      %mul3A_473 = arith.mulf %mul3A_444, %sub3A_138 : vector<16xf32>
      %add3A_474 = arith.addf %mul3A_450, %mul3A_473 : vector<16xf32>
      %neg3A_475 = arith.constant 0.000000e+00 : f32
      %neg3A_476 = vector.broadcast %neg3A_475 : f32 to vector<16xf32>
      %neg3A_477 = arith.subf %neg3A_476, %add3A_437 : vector<16xf32>
      %mul3A_478 = arith.mulf %add3A_143, %neg3A_477 : vector<16xf32>
      %add3A_479 = arith.addf %add3A_470, %mul3A_478 : vector<16xf32>
      %mul3A_480 = arith.mulf %neg3A_477, %mul3A_127 : vector<16xf32>
      %neg3A_481 = arith.constant 0.000000e+00 : f32
      %neg3A_482 = vector.broadcast %neg3A_481 : f32 to vector<16xf32>
      %neg3A_483 = arith.subf %neg3A_482, %add3A_440 : vector<16xf32>
      %mul3A_484 = arith.mulf %add3A_143, %neg3A_483 : vector<16xf32>
      %add3A_485 = arith.addf %add3A_474, %mul3A_484 : vector<16xf32>
      %mul3A_486 = arith.mulf %neg3A_483, %mul3A_126 : vector<16xf32>
      %add3A_487 = arith.addf %mul3A_480, %mul3A_486 : vector<16xf32>
      %neg3A_488 = arith.constant 0.000000e+00 : f32
      %neg3A_489 = vector.broadcast %neg3A_488 : f32 to vector<16xf32>
      %neg3A_490 = arith.subf %neg3A_489, %add3A_443 : vector<16xf32>
      %mul3A_491 = arith.mulf %add3A_143, %neg3A_490 : vector<16xf32>
      %add3A_492 = arith.addf %add3A_460, %mul3A_491 : vector<16xf32>
      %mul3A_493 = arith.mulf %neg3A_490, %mul3A_125 : vector<16xf32>
      %add3A_494 = arith.addf %add3A_487, %mul3A_493 : vector<16xf32>
      %mul3A_495 = arith.mulf %sub3A_77, %add3A_494 : vector<16xf32>
      %add3A_496 = arith.addf %add3A_479, %mul3A_495 : vector<16xf32>
      %mul3A_497 = arith.mulf %add3A_494, %mul3A_127 : vector<16xf32>
      %add3A_498 = arith.addf %add3A_437, %mul3A_497 : vector<16xf32>
      %mul3A_499 = arith.mulf %sub3A_76, %add3A_494 : vector<16xf32>
      %add3A_500 = arith.addf %add3A_485, %mul3A_499 : vector<16xf32>
      %mul3A_501 = arith.mulf %add3A_494, %mul3A_126 : vector<16xf32>
      %add3A_502 = arith.addf %add3A_440, %mul3A_501 : vector<16xf32>
      %mul3A_503 = arith.mulf %sub3A_75, %add3A_494 : vector<16xf32>
      %add3A_504 = arith.addf %add3A_492, %mul3A_503 : vector<16xf32>
      %mul3A_505 = arith.mulf %add3A_494, %mul3A_125 : vector<16xf32>
      %add3A_506 = arith.addf %add3A_443, %mul3A_505 : vector<16xf32>
      %neg3A_507 = arith.constant 0.000000e+00 : f32
      %neg3A_508 = vector.broadcast %neg3A_507 : f32 to vector<16xf32>
      %neg3A_509 = arith.subf %neg3A_508, %add3A_472 : vector<16xf32>
      %mul3A_510 = arith.mulf %add3A_132, %neg3A_509 : vector<16xf32>
      %add3A_511 = arith.addf %add3A_496, %mul3A_510 : vector<16xf32>
      %mul3A_512 = arith.mulf %neg3A_509, %mul3A_127 : vector<16xf32>
      %neg3A_513 = arith.constant 0.000000e+00 : f32
      %neg3A_514 = vector.broadcast %neg3A_513 : f32 to vector<16xf32>
      %neg3A_515 = arith.subf %neg3A_514, %add3A_468 : vector<16xf32>
      %mul3A_516 = arith.mulf %add3A_132, %neg3A_515 : vector<16xf32>
      %add3A_517 = arith.addf %add3A_500, %mul3A_516 : vector<16xf32>
      %mul3A_518 = arith.mulf %neg3A_515, %mul3A_126 : vector<16xf32>
      %add3A_519 = arith.addf %mul3A_512, %mul3A_518 : vector<16xf32>
      %neg3A_520 = arith.constant 0.000000e+00 : f32
      %neg3A_521 = vector.broadcast %neg3A_520 : f32 to vector<16xf32>
      %neg3A_522 = arith.subf %neg3A_521, %add3A_462 : vector<16xf32>
      %mul3A_523 = arith.mulf %add3A_132, %neg3A_522 : vector<16xf32>
      %add3A_524 = arith.addf %add3A_504, %mul3A_523 : vector<16xf32>
      %mul3A_525 = arith.mulf %neg3A_522, %mul3A_125 : vector<16xf32>
      %add3A_526 = arith.addf %add3A_519, %mul3A_525 : vector<16xf32>
      %mul3A_527 = arith.mulf %sub3A_71, %add3A_526 : vector<16xf32>
      %add3A_528 = arith.addf %add3A_511, %mul3A_527 : vector<16xf32>
      %mul3A_529 = arith.mulf %add3A_526, %mul3A_127 : vector<16xf32>
      %add3A_530 = arith.addf %add3A_472, %mul3A_529 : vector<16xf32>
      %mul3A_531 = arith.mulf %sub3A_70, %add3A_526 : vector<16xf32>
      %add3A_532 = arith.addf %add3A_517, %mul3A_531 : vector<16xf32>
      %mul3A_533 = arith.mulf %add3A_526, %mul3A_126 : vector<16xf32>
      %add3A_534 = arith.addf %add3A_468, %mul3A_533 : vector<16xf32>
      %mul3A_535 = arith.mulf %sub3A, %add3A_526 : vector<16xf32>
      %add3A_536 = arith.addf %add3A_524, %mul3A_535 : vector<16xf32>
      %mul3A_537 = arith.mulf %add3A_526, %mul3A_125 : vector<16xf32>
      %add3A_538 = arith.addf %add3A_462, %mul3A_537 : vector<16xf32>
      %mul3A_539 = arith.mulf %sub3A_74, %add3A_528 : vector<16xf32>
      %mul3A_540 = arith.mulf %add3A_528, %mul3A_124 : vector<16xf32>
      %mul3A_541 = arith.mulf %sub3A_73, %add3A_532 : vector<16xf32>
      %add3A_542 = arith.addf %mul3A_539, %mul3A_541 : vector<16xf32>
      %mul3A_543 = arith.mulf %add3A_532, %mul3A_124 : vector<16xf32>
      %mul3A_544 = arith.mulf %sub3A_72, %add3A_536 : vector<16xf32>
      %add3A_545 = arith.addf %add3A_542, %mul3A_544 : vector<16xf32>
      %mul3A_546 = arith.mulf %add3A_536, %mul3A_124 : vector<16xf32>
      %mul3A_547 = arith.mulf %mul3A_115, %add3A_545 : vector<16xf32>
      %mul3A_548 = arith.mulf %add3A_545, %sub3A_123 : vector<16xf32>
      %neg3A_549 = arith.constant 0.000000e+00 : f32
      %neg3A_550 = vector.broadcast %neg3A_549 : f32 to vector<16xf32>
      %neg3A_551 = arith.subf %neg3A_550, %mul3A_547 : vector<16xf32>
      %mul3A_552 = arith.mulf %mul3A_119, %neg3A_551 : vector<16xf32>
      %add3A_553 = arith.addf %mul3A_548, %mul3A_552 : vector<16xf32>
      %mul3A_554 = arith.mulf %neg3A_551, %mul3A_115 : vector<16xf32>
      %mul3A_555 = arith.mulf %mul3A_118, %mul3A_554 : vector<16xf32>
      %add3A_556 = arith.addf %add3A_553, %mul3A_555 : vector<16xf32>
      %mul3A_557 = arith.mulf %mul3A_554, %mul3A_115 : vector<16xf32>
      %mul3A_558 = arith.constant 5.000000e-01 : f32
      %mul3A_559 = vector.broadcast %mul3A_558 : f32 to vector<16xf32>
      %mul3A_560 = arith.mulf %mul3A_559, %mul3A_557 : vector<16xf32>
      %mul3A_561 = arith.mulf %mul3A_106, %add3A_556 : vector<16xf32>
      %mul3A_562 = arith.mulf %add3A_556, %sub3A_114 : vector<16xf32>
      %neg3A_563 = arith.constant 0.000000e+00 : f32
      %neg3A_564 = vector.broadcast %neg3A_563 : f32 to vector<16xf32>
      %neg3A_565 = arith.subf %neg3A_564, %mul3A_561 : vector<16xf32>
      %mul3A_566 = arith.mulf %mul3A_110, %neg3A_565 : vector<16xf32>
      %add3A_567 = arith.addf %mul3A_562, %mul3A_566 : vector<16xf32>
      %mul3A_568 = arith.mulf %neg3A_565, %mul3A_106 : vector<16xf32>
      %mul3A_569 = arith.mulf %mul3A_109, %mul3A_568 : vector<16xf32>
      %add3A_570 = arith.addf %add3A_567, %mul3A_569 : vector<16xf32>
      %mul3A_571 = arith.mulf %mul3A_568, %mul3A_106 : vector<16xf32>
      %mul3A_572 = arith.constant 5.000000e-01 : f32
      %mul3A_573 = vector.broadcast %mul3A_572 : f32 to vector<16xf32>
      %mul3A_574 = arith.mulf %mul3A_573, %mul3A_571 : vector<16xf32>
      %add3A_575 = arith.addf %mul3A_560, %mul3A_574 : vector<16xf32>
      %mul3A_576 = arith.mulf %mul3A_97, %add3A_570 : vector<16xf32>
      %mul3A_577 = arith.mulf %add3A_570, %sub3A_105 : vector<16xf32>
      %neg3A_578 = arith.constant 0.000000e+00 : f32
      %neg3A_579 = vector.broadcast %neg3A_578 : f32 to vector<16xf32>
      %neg3A_580 = arith.subf %neg3A_579, %mul3A_576 : vector<16xf32>
      %mul3A_581 = arith.mulf %mul3A_101, %neg3A_580 : vector<16xf32>
      %add3A_582 = arith.addf %mul3A_577, %mul3A_581 : vector<16xf32>
      %mul3A_583 = arith.mulf %neg3A_580, %mul3A_97 : vector<16xf32>
      %mul3A_584 = arith.mulf %mul3A_100, %mul3A_583 : vector<16xf32>
      %add3A_585 = arith.addf %add3A_582, %mul3A_584 : vector<16xf32>
      %mul3A_586 = arith.mulf %mul3A_583, %mul3A_97 : vector<16xf32>
      %mul3A_587 = arith.constant 5.000000e-01 : f32
      %mul3A_588 = vector.broadcast %mul3A_587 : f32 to vector<16xf32>
      %mul3A_589 = arith.mulf %mul3A_588, %mul3A_586 : vector<16xf32>
      %add3A_590 = arith.addf %add3A_575, %mul3A_589 : vector<16xf32>
      %mul3A_591 = arith.mulf %bitcast_convert_type3A_88, %add3A_585 : vector<16xf32>
      %neg3A_592 = arith.constant 0.000000e+00 : f32
      %neg3A_593 = vector.broadcast %neg3A_592 : f32 to vector<16xf32>
      %neg3A_594 = arith.subf %neg3A_593, %mul3A_591 : vector<16xf32>
      %mul3A_595 = arith.mulf %neg3A_594, %bitcast_convert_type3A_88 : vector<16xf32>
      %mul3A_596 = arith.mulf %mul3A_595, %bitcast_convert_type3A_88 : vector<16xf32>
      %mul3A_597 = arith.constant 5.000000e-01 : f32
      %mul3A_598 = vector.broadcast %mul3A_597 : f32 to vector<16xf32>
      %mul3A_599 = arith.mulf %mul3A_598, %mul3A_596 : vector<16xf32>
      %add3A_600 = arith.addf %add3A_590, %mul3A_599 : vector<16xf32>
      %mul3A_601 = arith.mulf %sub3A_74, %add3A_600 : vector<16xf32>
      %add3A_602 = arith.addf %mul3A_540, %mul3A_601 : vector<16xf32>
      %mul3A_603 = arith.mulf %add3A_600, %sub3A_74 : vector<16xf32>
      %add3A_604 = arith.addf %add3A_602, %mul3A_603 : vector<16xf32>
      %mul3A_605 = arith.mulf %sub3A_73, %add3A_600 : vector<16xf32>
      %add3A_606 = arith.addf %mul3A_543, %mul3A_605 : vector<16xf32>
      %mul3A_607 = arith.mulf %add3A_600, %sub3A_73 : vector<16xf32>
      %add3A_608 = arith.addf %add3A_606, %mul3A_607 : vector<16xf32>
      %mul3A_609 = arith.mulf %sub3A_72, %add3A_600 : vector<16xf32>
      %add3A_610 = arith.addf %mul3A_546, %mul3A_609 : vector<16xf32>
      %mul3A_611 = arith.mulf %add3A_600, %sub3A_72 : vector<16xf32>
      %add3A_612 = arith.addf %add3A_610, %mul3A_611 : vector<16xf32>
      %neg3A_613 = arith.constant 0.000000e+00 : f32
      %neg3A_614 = vector.broadcast %neg3A_613 : f32 to vector<16xf32>
      %neg3A_615 = arith.subf %neg3A_614, %add3A_498 : vector<16xf32>
      %neg3A_616 = arith.constant 0.000000e+00 : f32
      %neg3A_617 = vector.broadcast %neg3A_616 : f32 to vector<16xf32>
      %neg3A_618 = arith.subf %neg3A_617, %add3A_502 : vector<16xf32>
      %neg3A_619 = arith.constant 0.000000e+00 : f32
      %neg3A_620 = vector.broadcast %neg3A_619 : f32 to vector<16xf32>
      %neg3A_621 = arith.subf %neg3A_620, %add3A_506 : vector<16xf32>
      %neg3A_622 = arith.constant 0.000000e+00 : f32
      %neg3A_623 = vector.broadcast %neg3A_622 : f32 to vector<16xf32>
      %neg3A_624 = arith.subf %neg3A_623, %add3A_604 : vector<16xf32>
      %add3A_625 = arith.addf %neg3A_615, %add3A_604 : vector<16xf32>
      %neg3A_626 = arith.constant 0.000000e+00 : f32
      %neg3A_627 = vector.broadcast %neg3A_626 : f32 to vector<16xf32>
      %neg3A_628 = arith.subf %neg3A_627, %add3A_608 : vector<16xf32>
      %add3A_629 = arith.addf %neg3A_618, %add3A_608 : vector<16xf32>
      %neg3A_630 = arith.constant 0.000000e+00 : f32
      %neg3A_631 = vector.broadcast %neg3A_630 : f32 to vector<16xf32>
      %neg3A_632 = arith.subf %neg3A_631, %add3A_612 : vector<16xf32>
      %add3A_633 = arith.addf %neg3A_621, %add3A_612 : vector<16xf32>
      %neg3A_634 = arith.constant 0.000000e+00 : f32
      %neg3A_635 = vector.broadcast %neg3A_634 : f32 to vector<16xf32>
      %neg3A_636 = arith.subf %neg3A_635, %add3A_530 : vector<16xf32>
      %add3A_637 = arith.addf %neg3A_624, %neg3A_636 : vector<16xf32>
      %neg3A_638 = arith.constant 0.000000e+00 : f32
      %neg3A_639 = vector.broadcast %neg3A_638 : f32 to vector<16xf32>
      %neg3A_640 = arith.subf %neg3A_639, %add3A_534 : vector<16xf32>
      %add3A_641 = arith.addf %neg3A_628, %neg3A_640 : vector<16xf32>
      %neg3A_642 = arith.constant 0.000000e+00 : f32
      %neg3A_643 = vector.broadcast %neg3A_642 : f32 to vector<16xf32>
      %neg3A_644 = arith.subf %neg3A_643, %add3A_538 : vector<16xf32>
      %add3A_645 = arith.addf %neg3A_632, %neg3A_644 : vector<16xf32>
      %swap3A = arith.constant 0 : index
      %swap3A_646 = tpu.vector_load %arg8[%swap3A] {strides = array<i32>} : memref<16xf32, #tpu.memory_space<vmem>>, vector<16xf32>,
      tpu.vector_store %arg8[%swap3A], %select_n3A_311 {strides = array<i32>} : memref<16xf32, #tpu.memory_space<vmem>>, vector<16xf32>,
      %broadcast_in_dim3A_647 = arith.constant 0.000000e+00 : f32
      %broadcast_in_dim3A_648 = vector.broadcast %broadcast_in_dim3A_647 : f32 to vector<16xf32>
      %eq3A_649 = arith.constant 0 : i32
      %eq3A_650 = vector.broadcast %eq3A_649 : i32 to vector<16xi32>
      %eq3A_651 = arith.cmpi eq, %iota3A, %eq3A_650 : vector<16xi32>
      %select_n3A_652 = arith.select %eq3A_651, %add3A_538, %broadcast_in_dim3A_648 : vector<16xi1>, vector<16xf32>
      %eq3A_653 = arith.constant 1 : i32
      %eq3A_654 = vector.broadcast %eq3A_653 : i32 to vector<16xi32>
      %eq3A_655 = arith.cmpi eq, %iota3A, %eq3A_654 : vector<16xi32>
      %select_n3A_656 = arith.select %eq3A_655, %add3A_534, %select_n3A_652 : vector<16xi1>, vector<16xf32>
      %eq3A_657 = arith.constant 2 : i32
      %eq3A_658 = vector.broadcast %eq3A_657 : i32 to vector<16xi32>
      %eq3A_659 = arith.cmpi eq, %iota3A, %eq3A_658 : vector<16xi32>
      %select_n3A_660 = arith.select %eq3A_659, %add3A_530, %select_n3A_656 : vector<16xi1>, vector<16xf32>
      %eq3A_661 = arith.constant 3 : i32
      %eq3A_662 = vector.broadcast %eq3A_661 : i32 to vector<16xi32>
      %eq3A_663 = arith.cmpi eq, %iota3A, %eq3A_662 : vector<16xi32>
      %select_n3A_664 = arith.select %eq3A_663, %add3A_645, %select_n3A_660 : vector<16xi1>, vector<16xf32>
      %eq3A_665 = arith.constant 4 : i32
      %eq3A_666 = vector.broadcast %eq3A_665 : i32 to vector<16xi32>
      %eq3A_667 = arith.cmpi eq, %iota3A, %eq3A_666 : vector<16xi32>
      %select_n3A_668 = arith.select %eq3A_667, %add3A_641, %select_n3A_664 : vector<16xi1>, vector<16xf32>
      %eq3A_669 = arith.constant 5 : i32
      %eq3A_670 = vector.broadcast %eq3A_669 : i32 to vector<16xi32>
      %eq3A_671 = arith.cmpi eq, %iota3A, %eq3A_670 : vector<16xi32>
      %select_n3A_672 = arith.select %eq3A_671, %add3A_637, %select_n3A_668 : vector<16xi1>, vector<16xf32>
      %eq3A_673 = arith.constant 6 : i32
      %eq3A_674 = vector.broadcast %eq3A_673 : i32 to vector<16xi32>
      %eq3A_675 = arith.cmpi eq, %iota3A, %eq3A_674 : vector<16xi32>
      %select_n3A_676 = arith.select %eq3A_675, %add3A_633, %select_n3A_672 : vector<16xi1>, vector<16xf32>
      %eq3A_677 = arith.constant 7 : i32
      %eq3A_678 = vector.broadcast %eq3A_677 : i32 to vector<16xi32>
      %eq3A_679 = arith.cmpi eq, %iota3A, %eq3A_678 : vector<16xi32>
      %select_n3A_680 = arith.select %eq3A_679, %add3A_629, %select_n3A_676 : vector<16xi1>, vector<16xf32>
      %eq3A_681 = arith.constant 8 : i32
      %eq3A_682 = vector.broadcast %eq3A_681 : i32 to vector<16xi32>
      %eq3A_683 = arith.cmpi eq, %iota3A, %eq3A_682 : vector<16xi32>
      %select_n3A_684 = arith.select %eq3A_683, %add3A_625, %select_n3A_680 : vector<16xi1>, vector<16xf32>
      %eq3A_685 = arith.constant 9 : i32
      %eq3A_686 = vector.broadcast %eq3A_685 : i32 to vector<16xi32>
      %eq3A_687 = arith.cmpi eq, %iota3A, %eq3A_686 : vector<16xi32>
      %select_n3A_688 = arith.select %eq3A_687, %add3A_506, %select_n3A_684 : vector<16xi1>, vector<16xf32>
      %eq3A_689 = arith.constant 10 : i32
      %eq3A_690 = vector.broadcast %eq3A_689 : i32 to vector<16xi32>
      %eq3A_691 = arith.cmpi eq, %iota3A, %eq3A_690 : vector<16xi32>
      %select_n3A_692 = arith.select %eq3A_691, %add3A_502, %select_n3A_688 : vector<16xi1>, vector<16xf32>
      %eq3A_693 = arith.constant 11 : i32
      %eq3A_694 = vector.broadcast %eq3A_693 : i32 to vector<16xi32>
      %eq3A_695 = arith.cmpi eq, %iota3A, %eq3A_694 : vector<16xi32>
      %select_n3A_696 = arith.select %eq3A_695, %add3A_498, %select_n3A_692 : vector<16xi1>, vector<16xf32>
      %jit3A = arith.constant 3 : i32
      %div3A_697 = vector.broadcast %jit3A : i32 to vector<16xi32>
      %div3A_698 = arith.divsi %iota3A, %div3A_697 : vector<16xi32>
      %sign3A = arith.constant 0 : i32
      %sign3A_699 = vector.broadcast %sign3A : i32 to vector<16xi32>
      %sign3A_700 = arith.cmpi sgt, %iota3A, %sign3A_699 : vector<16xi32>
      %sign3A_701 = arith.extui %sign3A_700 : vector<16xi1> to vector<16xi32>
      %sign3A_702 = arith.constant 0 : i32
      %sign3A_703 = vector.broadcast %sign3A_702 : i32 to vector<16xi32>
      %sign3A_704 = arith.cmpi slt, %iota3A, %sign3A_703 : vector<16xi32>
      %sign3A_705 = arith.extui %sign3A_704 : vector<16xi1> to vector<16xi32>
      %sign3A_706 = arith.subi %sign3A_701, %sign3A_705 : vector<16xi32>
      %sign3A_707 = arith.constant 0 : i32
      %sign3A_708 = arith.cmpi sgt, %jit3A, %sign3A_707 : i32
      %sign3A_709 = arith.extui %sign3A_708 : i1 to i32
      %sign3A_710 = arith.constant 0 : i32
      %sign3A_711 = arith.cmpi slt, %jit3A, %sign3A_710 : i32
      %sign3A_712 = arith.extui %sign3A_711 : i1 to i32
      %sign3A_713 = arith.subi %sign3A_709, %sign3A_712 : i32
      %ne3A = vector.broadcast %sign3A_713 : i32 to vector<16xi32>
      %ne3A_714 = arith.cmpi ne, %sign3A_706, %ne3A : vector<16xi32>
      %rem3A = vector.broadcast %jit3A : i32 to vector<16xi32>
      %rem3A_715 = arith.remsi %iota3A, %rem3A : vector<16xi32>
      %ne3A_716 = arith.constant 0 : i32
      %ne3A_717 = vector.broadcast %ne3A_716 : i32 to vector<16xi32>
      %ne3A_718 = arith.cmpi ne, %rem3A_715, %ne3A_717 : vector<16xi32>
      %and3A = arith.andi %ne3A_714, %ne3A_718 : vector<16xi1>
      %sub3A_719 = arith.constant 1 : i32
      %sub3A_720 = vector.broadcast %sub3A_719 : i32 to vector<16xi32>
      %sub3A_721 = arith.subi %div3A_698, %sub3A_720 : vector<16xi32>
      %select_n3A_722 = arith.select %and3A, %sub3A_721, %div3A_698 : vector<16xi1>, vector<16xi32>
      %min3A_723 = arith.constant 3 : i32
      %min3A_724 = vector.broadcast %min3A_723 : i32 to vector<16xi32>
      %min3A_725 = arith.minsi %select_n3A_722, %min3A_724 : vector<16xi32>
      %jit3A_726 = arith.constant 3 : i32
      %eq3A_727 = arith.constant 0 : i32
      %eq3A_728 = arith.cmpi eq, %jit3A_726, %eq3A_727 : i32
      %jit3A_729 = arith.constant 1 : i32
      %select_n3A_730 = arith.select %eq3A_728, %jit3A_729, %jit3A_726 : i32
      %rem3A_731 = vector.broadcast %select_n3A_730 : i32 to vector<16xi32>
      %rem3A_732 = arith.remsi %iota3A, %rem3A_731 : vector<16xi32>
      %ne3A_733 = arith.constant 0 : i32
      %ne3A_734 = vector.broadcast %ne3A_733 : i32 to vector<16xi32>
      %ne3A_735 = arith.cmpi ne, %rem3A_732, %ne3A_734 : vector<16xi32>
      %lt3A_736 = arith.constant 0 : i32
      %lt3A_737 = vector.broadcast %lt3A_736 : i32 to vector<16xi32>
      %lt3A_738 = arith.cmpi slt, %rem3A_732, %lt3A_737 : vector<16xi32>
      %lt3A_739 = arith.constant 0 : i32
      %lt3A_740 = arith.cmpi slt, %select_n3A_730, %lt3A_739 : i32
      %ne3A_741 = vector.broadcast %lt3A_740 : i1 to vector<16xi1>
      %ne3A_742 = vector.broadcast %ne3A_741 : vector<16xi1> to vector<16xi1>
      %ne3A_743 = arith.xori %lt3A_738, %ne3A_742 : vector<16xi1>
      %and3A_744 = arith.andi %ne3A_743, %ne3A_735 : vector<16xi1>
      %add3A_745 = vector.broadcast %select_n3A_730 : i32 to vector<16xi32>
      %add3A_746 = arith.addi %rem3A_732, %add3A_745 : vector<16xi32>
      %select_n3A_747 = arith.select %and3A_744, %add3A_746, %rem3A_732 : vector<16xi1>, vector<16xi32>
      %lt3A_748 = arith.constant 12 : i32
      %lt3A_749 = vector.broadcast %lt3A_748 : i32 to vector<16xi32>
      %lt3A_750 = arith.cmpi slt, %iota3A, %lt3A_749 : vector<16xi32>
      tpu.vector_store_idx %arg7[%min3A_725, %select_n3A_747], %select_n3A_696 masked %lt3A_750 : memref<4x3xf32, #tpu.memory_space<vmem>>[vector<16xi32>, vector<16xi32>], vector<16xf32>, vector<16xi1>
      "tpu.region"() ({
        %run_scoped3A = tpu.sem_alloc : memref<!tpu.dma_semaphore, #tpu.memory_space<semaphore_mem>>
        %dma_start3A = arith.constant 0 : i32
        %dma_start3A_751 = arith.constant 0 : i32
        %dma_start3A_752 = tpu.memref_slice %arg5[%dma_start3A, %dma_start3A_751] : memref<100000x3xf32, #tpu.memory_space<hbm>> -> memref<4x3xf32, #tpu.memory_space<hbm>>
        %dma_start3A_753 = arith.constant 0 : i32
        %dma_start3A_754 = arith.constant 0 : i32
        %dma_start3A_755 = tpu.memref_slice %arg5[%dma_start3A_753, %dma_start3A_754] : memref<100000x3xf32, #tpu.memory_space<hbm>> -> memref<4x3xf32, #tpu.memory_space<hbm>>
        tpu.enqueue_dma source(%arg7 : memref<4x3xf32, #tpu.memory_space<vmem>>) target(%dma_start3A_755 : memref<4x3xf32, #tpu.memory_space<hbm>>) target_semaphore(%run_scoped3A : memref<!tpu.dma_semaphore, #tpu.memory_space<semaphore_mem>>)
        %dma_wait3A = arith.constant 0 : i32
        %dma_wait3A_756 = arith.constant 0 : i32
        %dma_wait3A_757 = tpu.memref_slice %arg5[%dma_wait3A, %dma_wait3A_756] : memref<100000x3xf32, #tpu.memory_space<hbm>> -> memref<4x3xf32, #tpu.memory_space<hbm>>
        %dma_wait3A_758 = arith.constant 0 : i32
        %dma_wait3A_759 = arith.constant 0 : i32
        %dma_wait3A_760 = tpu.memref_slice %arg5[%dma_wait3A_758, %dma_wait3A_759] : memref<100000x3xf32, #tpu.memory_space<hbm>> -> memref<4x3xf32, #tpu.memory_space<hbm>>
        tpu.wait_dma2 semaphore(%run_scoped3A : memref<!tpu.dma_semaphore, #tpu.memory_space<semaphore_mem>>) src(%arg7 : memref<4x3xf32, #tpu.memory_space<vmem>>) dst(%dma_wait3A_760 : memref<4x3xf32, #tpu.memory_space<hbm>>)
        tpu.yield
      }) : () -> ()
      "tpu.region"() ({
        %run_scoped3A = tpu.sem_alloc : memref<!tpu.dma_semaphore, #tpu.memory_space<semaphore_mem>>
        tpu.enqueue_dma source(%arg8 : memref<16xf32, #tpu.memory_space<vmem>>) target(%arg4 : memref<16xf32, #tpu.memory_space<hbm>>) target_semaphore(%run_scoped3A : memref<!tpu.dma_semaphore, #tpu.memory_space<semaphore_mem>>)
        tpu.wait_dma2 semaphore(%run_scoped3A : memref<!tpu.dma_semaphore, #tpu.memory_space<semaphore_mem>>) src(%arg8 : memref<16xf32, #tpu.memory_space<vmem>>) dst(%arg4 : memref<16xf32, #tpu.memory_space<hbm>>)
        tpu.yield
      }) : () -> ()
    } else {
    }
    return
  }
}

</mosaic_0001>

<sc_bundles>
// kernel: kernel.3.cloned.1.call-start
scs
__scs_entry_jumppad:
0x0: {  	(pc) =	sbr.rel $0x88, $3  }
0x1: {  	(tag) =	ssettag $0x0;
	lr =	simm.s32 $0x1  }
0x2: {  	[smem:$0x3FA0] =	sst lr;
	_ =	strace $0xD0000000  }
0x3: {  	_ = 	snop  }
0x4: {  	_ = 	snop  }
0x5: {  	_ = 	snop  }
0x6: {  	_ = 	snop  }
0x7: {  	_ = 	snop  }
__scs_overlays_trampoline_lowered:
0x8: {  	[smem:$0x3FAF] =	sst s0  }
0x9: {  	[smem:$0x3FB0] =	sst s1  }
0xa: {  	[smem:$0x3FB1] =	sst s2  }
0xb: {  	[smem:$0x3FB2] =	sst s3  }
0xc: {  	[smem:$0x3FB3] =	sst s4  }
0xd: {  	[smem:$0x3FB4] =	sst s5  }
0xe: {  	[smem:$0x3FB5] =	sst s6  }
0xf: {  	[smem:$0x3FB6] =	sst s7  }
0x10: {  	[smem:$0x3FB7] =	sst s8  }
0x11: {  	[smem:$0x3FB8] =	sst s9;
	s0 =	simm.s32 @!p0 $0x0  }
0x12: {  	s1 =	sld [smem:$0x3F9E];
	s0 =	simm.s32 @p0 $0x1  }
0x13: {  	[smem:$0x3FB9] =	sst s0;
	s0 =	simm.s32 @!p1 $0x0  }
0x14: {  	s2 =	sld [smem:$0x3F9D];
	s0 =	simm.s32 @p1 $0x1  }
0x15: {  	[smem:$0x3FBA] =	sst s0;
	s0 =	simm.s32 @!p2 $0x0  }
0x16: {  	s3 =	sld [smem:$0x3FDB];
	s0 =	simm.s32 @p2 $0x1  }
0x17: {  	s4 =	simm.s32 $0x1BF5;
	[smem:$0x3FBC] =	sst s0  }
0x18: {  	s0 =	sld [smem:$0x3F9F];
	_ =	swait.ge [sflag:s4], $0x0  }
0x19: {  	s7 =	sld [smem:$0x3FA0]  }
0x1a: {  	s8 =	sadd.s32 $0xFFFFE003, lr  }
0x1b: {  	s9 =	sadd.s32 $0xFFFFFEF7, lr;
	s5 =	simm.s32 $0xFFFFFFFF;
	p2 =	slt.u32 s8, $0xFFFFF086  }
0x1c: {  	p1 =	slt.u32 s9, $0xF7A;
	s5 =	simm.s32 @!p2 $0x0  }
0x1d: {  	s5 =	simm.s32 @p1 $0x1;
	p0 =	seq.s32 s7, s2  }
0x1e: {  	s7 =	smul.u32 @!p0 $0xF7A, s2;
	p2 =	seq.s32 @!p0 s5, $0x0  }
0x1f: {  	s9 =	smul.u32 $0xF7A, s1;
	s8 =	simm.s32 @!p0 $0x1BF5;
	p2 =	por !p2, p0  }
0x20: {  	[sflag:s8] =	ssyncset.s32 @!p0 $0xFFFFF086;
	s6 =	sadd.s32 @!p0 s3, s7;
	s7 =	simm.s32 @!p0 $0x108  }
0x21: {  	s3 =	sadd.s32 s3, s9;
	s6 =	sadd.s32 @!p0 $0x88, s6;
	s7 =	simm.s32 @p2 $0x1082  }
0x22: {  	[simem:s7], [sflag:s8] =	dma.local @!p0 [hbm:s6], $0xF7A  }
0x23: {  	s9 =	sor.u32 $0xD0000000, s2;
	s6 =	simm.s32 $0x108;
	_ =	swait.ge @!p0 [sflag:s8], $0x0  }
0x24: {  	s3 =	sadd.s32 $0x88, s3;
	s6 =	simm.s32 @!p1 $0x1082;
	[sflag:s4] =	ssyncset.s32 $0xFFFFF086  }
0x25: {  	[simem:s6], [sflag:s4] =	dma.local [hbm:s3], $0xF7A  }
0x26: {  	[smem:$0x3FA0] =	sst s1;
	(tag) =	ssettag s2;
	_ =	strace s9  }
0x27: {  	s1 =	sld [smem:$0x3FB0]  }
0x28: {  	s2 =	sld [smem:$0x3FB1]  }
0x29: {  	s4 =	sld [smem:$0x3FB3]  }
0x2a: {  	p0 =	seq.s32 s5, $0x0;
	s5 =	sld [smem:$0x3FB4]  }
0x2b: {  	s6 =	sld [smem:$0x3FB5]  }
0x2c: {  	s7 =	sld [smem:$0x3FB6]  }
0x2d: {  	s3 =	simm.s32 $0x108;
	s8 =	sld [smem:$0x3FB7]  }
0x2e: {  	s3 =	simm.s32 @!p0 $0x1082;
	s9 =	sld [smem:$0x3FB8]  }
0x2f: {  	lr =	sadd.s32 s0, s3;
	s0 =	sld [smem:$0x3FAF]  }
0x30: {  	s3 =	sld [smem:$0x3FB2]  }
0x31: {  	[smem:$0x3FBB] =	sst s10  }
0x32: {  	s10 =	sld [smem:$0x3FB9];
	_ =	sdelay $0x3  }
0x33: {  	p0 =	seq.s32 s10, $0x1;
	s10 =	sld [smem:$0x3FBB];
	_ =	sdelay $0x3  }
0x34: {  	[smem:$0x3FBB] =	sst s10  }
0x35: {  	s10 =	sld [smem:$0x3FBA];
	_ =	sdelay $0x3  }
0x36: {  	p1 =	seq.s32 s10, $0x1;
	s10 =	sld [smem:$0x3FBB];
	_ =	sdelay $0x3  }
0x37: {  	[smem:$0x3FBB] =	sst s10  }
0x38: {  	s10 =	sld [smem:$0x3FBC]  }
0x39: {  	_ = 	snop;
	(pc) =	sbr.ind lr, $3  }
0x3a: {  	_ = 	snop  }
0x3b: {  	_ = 	snop  }
0x3c: {  	p2 =	seq.s32 s10, $0x1;
	s10 =	sld [smem:$0x3FBB]  }
0x3d: {  	_ =	shalt  }
0x3e: {  	_ =	shalt  }
0x3f: {  	_ =	shalt  }
0x40: {  	_ =	shalt  }
0x41: {  	_ =	shalt  }
0x42: {  	_ =	shalt  }
0x43: {  	_ =	shalt  }
0x44: {  	_ =	shalt  }
0x45: {  	_ =	shalt  }
0x46: {  	_ =	shalt  }
0x47: {  	_ =	shalt  }
0x48: {  	_ =	shalt  }
0x49: {  	_ =	shalt  }
0x4a: {  	_ =	shalt  }
0x4b: {  	_ =	shalt  }
0x4c: {  	_ =	shalt  }
0x4d: {  	_ =	shalt  }
0x4e: {  	_ =	shalt  }
0x4f: {  	_ =	shalt  }
0x50: {  	_ =	shalt  }
0x51: {  	_ =	shalt  }
0x52: {  	_ =	shalt  }
0x53: {  	_ =	shalt  }
0x54: {  	_ =	shalt  }
0x55: {  	_ =	shalt  }
0x56: {  	_ =	shalt  }
0x57: {  	_ =	shalt  }
0x58: {  	_ =	shalt  }
0x59: {  	_ =	shalt  }
0x5a: {  	_ =	shalt  }
0x5b: {  	_ =	shalt  }
0x5c: {  	_ =	shalt  }
0x5d: {  	_ =	shalt  }
0x5e: {  	_ =	shalt  }
0x5f: {  	_ =	shalt  }
0x60: {  	_ =	shalt  }
0x61: {  	_ =	shalt  }
0x62: {  	_ =	shalt  }
0x63: {  	_ =	shalt  }
0x64: {  	_ =	shalt  }
0x65: {  	_ =	shalt  }
0x66: {  	_ =	shalt  }
0x67: {  	_ =	shalt  }
0x68: {  	_ =	shalt  }
0x69: {  	_ =	shalt  }
0x6a: {  	_ =	shalt  }
0x6b: {  	_ =	shalt  }
0x6c: {  	_ =	shalt  }
0x6d: {  	_ =	shalt  }
0x6e: {  	_ =	shalt  }
0x6f: {  	_ =	shalt  }
0x70: {  	_ =	shalt  }
0x71: {  	_ =	shalt  }
0x72: {  	_ =	shalt  }
0x73: {  	_ =	shalt  }
0x74: {  	_ =	shalt  }
0x75: {  	_ =	shalt  }
0x76: {  	_ =	shalt  }
0x77: {  	_ =	shalt  }
0x78: {  	_ =	shalt  }
0x79: {  	_ =	shalt  }
0x7a: {  	_ =	shalt  }
0x7b: {  	_ =	shalt  }
0x7c: {  	_ =	shalt  }
0x7d: {  	_ =	shalt  }
0x7e: {  	_ =	shalt  }
0x7f: {  	_ =	shalt  }
0x80: {  	_ =	shalt  }
0x81: {  	_ =	shalt  }
0x82: {  	_ =	shalt  }
0x83: {  	_ =	shalt  }
0x84: {  	_ =	shalt  }
0x85: {  	_ =	shalt  }
0x86: {  	_ =	shalt  }
0x87: {  	_ =	shalt  }
.Lfunc_end0:
.L_simem_size_0:
called_computation_lowered:
.L_overlay_start_0:
0x88: {  	s2 =	sld [smem:$0x3FD9]  }
0x89: {  	s3 =	sld [smem:$0x3FFE];
	_ =	sdelay $0x1  }
0x8a: {  	s1 =	srdreg.scid  }
0x8b: {  	s0 =	sand.u32 $0x1, s1  }
0x8c: {  	s14 =	sshll.u32 s0, $0xA;
	s2 =	sadd.s32 s3, s2  }
0x8d: {  	s2 =	sadd.s32 s2, s14  }
0x8e: {  	[smem:$0x3FC7] =	sst s2  }
0x8f: {  	_ = 	snop  }
0x90: {  	s2 =	sld [smem:$0x3FD0];
	_ =	sdelay $0x2  }
0x91: {  	s15 =	simm.s32 $0xA;
	s4 =	simm.s32 $0x10  }
0x92: {  	[smem:s4], [sflag:s15] =	dma.local [hbm:s2], $0x1  }
0x93: {  	_ =	swait.eq [sflag:s15], $0x1  }
0x94: {  	[sflag:s15] =	ssyncset.done $0x0  }
0x95: {  	[sflag:s15] =	ssyncadd.s32 $0xFFFFFFFF  }
0x96: {  	s16 =	sld [smem:$0x10];
	(tm) =	ssettm $0x1  }
0x97: {  	s17 =	sld [smem:$0x3FFB];
	_ =	sdelay $0x3  }
0x98: {  	_ =	strace s17  }
0x99: {  	s3 =	sld [smem:$0x3FFC];
	_ =	sdelay $0x3  }
0x9a: {  	_ =	strace s3  }
0x9b: {  	s3 =	sld [smem:$0x3FFD];
	_ =	sdelay $0x3  }
0x9c: {  	_ =	strace s3  }
0x9d: {  	_ =	strace $0x8FFFFFFF  }
0x9e: {  	s18 =	sld [smem:$0x3FDB];
	_ =	sdelay $0x1  }
0x9f: {  	s19 =	simm.s32 $_scs_section_size  }
0xa0: {  	s5 =	simm.s32 $_size__tile_overlayer_lowered;
	s6 =	simm.s32 $_tile_overlayer_lowered  }
0xa1: {  	s22 =	simm.s32 $0x1BFF;
	s21 =	sshll.u32 s6, $0x1;
	s3 =	sadd.s32 s19, s18  }
0xa2: {  	s7 =	simm.s32 $0x0;
	s20 =	sshll.u32 s5, $0x1;
	s5 =	sadd.s32 s21, s3  }
0xa3: {  	[timem:s7], [sflag:s22] =	dma.local [hbm:s5], s20  }
0xa4: {  	_ =	swait.ge [sflag:s22], s20  }
0xa5: {  	s4 =	ssub.s32 $0x0, s20;
	[sflag:s22] =	ssyncset.done $0x0  }
0xa6: {  	[sflag:s22] =	ssyncadd.s32 s4;
	_ =	sdelay $0x1  }
0xa7: {  	s23 =	simm.s32 $0x1B8B  }
0xa8: {  	_ =	swait.ge [sflag:s23], $0x1  }
0xa9: {  	[sflag:s23] =	ssyncset.done $0x0  }
0xaa: {  	s25 =	simm.s32 $0x1B8E;
	s24 =	sld [smem:$0x3FFE];
	[sflag:s23] =	ssyncadd.s32 $0xFFFFFFFF  }
0xab: {  	s26 =	simm.s32 $execute0_lowered;
	[smem:$0x3FD2] =	sst s25  }
0xac: {  	s5 =	sshll.u32 s26, $0x1;
	_ =	strace $0x80000046;
	[dreg:$0x1] =	wrdreg $0xFFFFFFFF  }
0xad: {  	s28 =	simm.s32 $_size_execute0_lowered;
	s3 =	sadd.s32 s3, s5;
	[dreg:$0x0] =	wrdreg $0x0  }
0xae: {  	s5 =	sshll.u32 s28, $0x1;
	[dreg:$0x2] =	wrdreg s3  }
0xaf: {  	[dreg:$0x3] =	wrdreg s5  }
0xb0: {  	[dreg:$0x4] =	wrdreg $0xC0  }
0xb1: {  	_ =	task [dreg:s7], $0x5FFFF  }
0xb2: {  	[dreg:$0x1] =	wrdreg $0xFFFFFFFF  }
0xb3: {  	[dreg:$0x0] =	wrdreg $0x60  }
0xb4: {  	[dreg:$0x2] =	wrdreg s24  }
0xb5: {  	[dreg:$0x3] =	wrdreg s16  }
0xb6: {  	[dreg:$0x4] =	wrdreg $0x9  }
0xb7: {  	_ =	task.clear_ibuf [dreg:s7], $0x5FFFF;
	_ =	strace $0x90000046  }
0xb8: {  	s29 =	simm.s32 $0x9;
	_ =	strace $0x80000048  }
0xb9: {  	_ =	swait.ge [sflag:s29], $0x1  }
0xba: {  	[sflag:s29] =	ssyncadd.s32 $0xFFFFFFFF  }
0xbb: {  	_ =	strace $0x90000048  }
0xbc: {  	_ =	sfence  }
0xbd: {  	s30 =	sld [smem:$0x0];
	_ =	sdelay $0x2  }
0xbe: {  	s31 =	sshll.u32 s1, $0xD;
	s1 =	sshrl.u32 s1, $0x2  }
0xbf: {  	s3 =	sand.u32 $0x4000, s31;
	s1 =	sadd.s32 s1, s30  }
0xc0: {  	s0 =	sor.u32 s3, s0;
	s1 =	sshll.u32 s1, $0x11  }
0xc1: {  	s0 =	sor.u32 s1, s0  }
0xc2: {  	s0 =	sadd.s32 $0x8F2B, s0  }
0xc3: {  	[sflag:s0] =	ssyncadd.remote.s32 $0x1  }
0xc4: {  	_ =	sfence.sel $0xFFFF  }
0xc5: {  	[dreg:$0x0] =	wrdreg $0xFFFFFFFF;
	(pc) =	sbr.abs _section_cstart, $3  }
0xc6: {  	[dreg:$0x1] =	wrdreg $0xFFFFFFFF  }
0xc7: {  	_ =	task.clear_ibuf [dreg:s7], $0x2FFFF;
	_ =	strace $0x9FFFFFFF  }
0xc8: {  	(tm) =	ssettm $0x7FFFFFFF  }
0xc9: {  	_ =	shalt  }
tec
execute0_lowered:
.L_overlay_start_1:
0x0: {  	(tag) =	ssettag $0x1  }
0x1: {  	v10 =	vimm.s32 $0x80020100  }
0x2: {  	v13 =	vunpack.c.0.s8.s32 v10;
	_ =	sdelay $0x1  }
0x3: {  	s8 =	rddreg [dreg:$0x0];
	vm2 =	vcmask $0xF00;
	v13 =	vand.u32 $0xFF, v13  }
0x4: {  	s1 =	rddreg [dreg:$0x1];
	vm3 =	vcmask $0x1310;
	v13 =	vnsel vm2, $0x180, v13  }
0x5: {  	s0 =	rddreg [dreg:$0x2];
	vm4 =	vcmask $0x1714;
	v13 =	vsel vm3, $0x81, v13  }
0x6: {  	s4 =	srdreg.scid;
	s2 =	stileid.u32;
	vm5 =	vcmask $0x1B18;
	v13 =	vsel vm4, $0x82, v13  }
0x7: {  	s3 =	simm.s32 $0x0;
	vm6 =	vcmask $0x1F1C;
	s11 =	simm.s32 $0x1;
	s13 =	simm.s32 $0x600;
	v13 =	vsel vm5, $0x100, v13  }
0x8: {  	vm7 =	vcmask $0x2320;
	vm8 =	vcmask $0x2B28;
	s4 =	sand.u32 $0x1, s4;
	s5 =	sshll.u32 s2, $0x1;
	[smem:$0x7FF] =	sst s3;
	v13 =	vsel vm6, $0x101, v13  }
0x9: {  	v12 =	vimm.f32 $1.000000000e+00;
	vm9 =	vcmask $0x2F2C;
	s6 =	sadd.s32 $0x187200, s8;
	s12 =	sor.u32 s4, s5;
	_ =	strace $0x80000047;
	v13 =	vsel vm7, $0x102, v13  }
.Ltmp0:
0xa: {  	vm10 =	vcmask $0x3734;
	vm12 =	vcmask $0x3B38;
	s7 =	ssub.s32 $0x2, s4;
	s4 =	sadd.s32 $0x800, s8;
	v13 =	vsel vm8, $0x181, v13;
	(pc) =	sbr.rel .LBB2_1-.Ltmp0, $4  }
0xb: {  	vm0 =	vmmov $0x1;
	vm11 =	vcmask $0x2B30;
	s31 =	sshll.u32 s2, $0x6;
	s5 =	sadd.s32 $0x193A00, s8;
	s8 =	sadd.s32 $0x317200, s8;
	v13 =	vsel vm9, $0x182, v13  }
0xc: {  	s9 =	smul.u32 $0xC800, s12;
	s10 =	sshrl.u32 s7, $0x1;
	p0 =	seq.s32 s12, $0x1F;
	vm4 =	vcmask $0xF30;
	vm5 =	vcmask $0x1330;
	v13 =	vsel vm10, $0x181, v13  }
0xd: {  	p1 =	seq.s32 s12, $0x0;
	s12 =	simm.s32 $0x400;
	s10 =	ssub.s32 s7, s10;
	vm6 =	vcmask $0x1730;
	vm7 =	vcmask $0x1B30;
	v0 =	vsel vm12, $0x182, v13  }
0xe: {  	s7 =	sadd.s32 s5, s9;
	s9 =	smax.u32 s10, $0x1;
	s10 =	sor.u32 $0x1C01, s31;
	vm8 =	vcmask $0x1F30;
	vm9 =	vcmask $0x2330;
	vm10 =	vcmask $0x2730;
	[tilespmem:$0x1FFF0] =	vst v0  }
.LBB2_6:
0xf: {  	[hbm:s8], [sflag:s10] =	dma.local [hbm:s6], $0x3200  }
0x10: {  	_ =	swait.ge [sflag:s11], $0x3200  }
0x11: {  	[sflag:s11] =	ssyncset.done $0x0  }
0x12: {  	[sflag:s11] =	ssyncadd.s32 $0xFFFFCE00  }
.LBB2_4:
0x13: {  	s9 =	sadd.s32 $0xFFFFFFFF, s9  }
0x14: {  	p2 =	sne.s32 s9, $0x0  }
.Ltmp1:
0x15: {  	_ = 	snop;
	(pc) =	sbr.rel @!p2 .LBB2_5-.Ltmp1, $1  }
0x16: {  	_ =	sdelay $0x3  }
.LBB2_1:
.Ltmp2:
0x17: {  	(pc) =	sbr.rel @p0 .LBB2_6-.Ltmp2, $1  }
0x18: {  	_ =	sdelay $0x3  }
.Ltmp3:
0x19: {  	(pc) =	sbr.rel @!p1 .LBB2_4-.Ltmp3, $4  }
0x1a: {  	[hbm:s7], [sflag:s10] =	dma.local [hbm:s6], $0xC800  }
0x1b: {  	_ =	swait.ge [sflag:s11], $0xC800  }
0x1c: {  	[sflag:s11] =	ssyncset.done $0x0  }
0x1d: {  	[sflag:s11] =	ssyncadd.s32 $0xFFFF3800  }
0x1e: {  	v0 =	vimm.s32 $0x80  }
0x1f: {  	[tilespmem:s3], [sflag:$0x1] =	stream.linear.gather [hbm4b:s4+s3], $0x400, $0x38;
	v42 =	vimm.s32 $0x81;
	[tilespmem:$0x680] =	vst v63  }
0x20: {  	v43 =	vimm.s32 $0x100;
	_ =	swait.ge [sflag:s11], $0x400  }
0x21: {  	v44 =	vimm.s32 $0x101;
	[sflag:s11] =	ssyncset.done $0x0  }
0x22: {  	v45 =	vimm.s32 $0x82;
	[sflag:s11] =	ssyncadd.s32 $0xFFFFFC00  }
0x23: {  	v46 =	vimm.s32 $0x102;
	v21 =	vld.idx.msk [tilespmem:v0+s3+$0x0], $0xffff  }
0x24: {  	v22 =	vld.idx.msk [tilespmem:v42+s3+$0x0], $0xffff  }
0x25: {  	v34 =	vld.idx.msk [tilespmem:v43+s3+$0x0], $0xffff  }
0x26: {  	v37 =	vld.idx.msk [tilespmem:v44+s3+$0x0], $0xffff  }
0x27: {  	v35 =	vld.idx.msk [tilespmem:v45+s3+$0x0], $0xffff  }
0x28: {  	v39 =	vld.idx.msk [tilespmem:v46+s3+$0x0], $0xffff;
	_ =	sdelay $0x2  }
0x29: {  	v16 =	vsub.f32 v34, v21;
	v15 =	vsub.f32 v37, v22;
	_ =	sdelay $0x1  }
0x2a: {  	v14 =	vsub.f32 v39, v35;
	v17 =	vmul.f32 v16, v16;
	v18 =	vmul.f32 v15, v15;
	_ =	sdelay $0x1  }
0x2b: {  	v47 =	vmul.f32 v14, v14;
	v17 =	vadd.f32 v18, v17;
	_ =	sdelay $0x1  }
0x2c: {  	v17 =	vadd.f32 v47, v17;
	_ =	sdelay $0x1  }
0x2d: {  	v18 =	vshrl.u32 v17, $0x1;
	v20 =	vmul.f32 $5.000000000e-01, v17  }
0x2e: {  	v18 =	vsub.s32 $0x5F3759DF, v18  }
0x2f: {  	v17 =	vmul.f32 v18, v20;
	_ =	sdelay $0x1  }
0x30: {  	v17 =	vmul.f32 v18, v17;
	_ =	sdelay $0x1  }
0x31: {  	v17 =	vsub.f32 $1.500000000e+00, v17;
	_ =	sdelay $0x1  }
0x32: {  	v19 =	vmul.f32 v18, v17;
	_ =	sdelay $0x1  }
0x33: {  	v25 =	vmul.f32 v19, v20;
	_ =	sdelay $0x1  }
0x34: {  	v17 =	vmul.f32 v25, v19;
	_ =	sdelay $0x1  }
0x35: {  	v27 =	vsub.f32 $1.500000000e+00, v17;
	_ =	sdelay $0x1  }
0x36: {  	v23 =	vmul.f32 v27, v19;
	_ =	sdelay $0x1  }
0x37: {  	v28 =	vmul.f32 v23, v20;
	_ =	sdelay $0x1  }
0x38: {  	v48 =	vmul.f32 v28, v23;
	_ =	sdelay $0x1  }
0x39: {  	v29 =	vsub.f32 $1.500000000e+00, v48  }
0x3a: {  	v50 =	vimm.s32 $0x1  }
0x3b: {  	v51 =	vimm.s32 $0x2;
	v26 =	vmul.f32 v29, v23  }
0x3c: {  	v52 =	vimm.s32 $0x180  }
0x3d: {  	v53 =	vimm.s32 $0x181;
	v30 =	vmul.f32 v26, v20  }
0x3e: {  	v54 =	vimm.s32 $0x182;
	v24 =	vld.msk [tilespmem:s3+$0x0], $0xffff  }
0x3f: {  	v33 =	vld.idx.msk [tilespmem:v50+s3+$0x0], $0xffff;
	v49 =	vmul.f32 v30, v26  }
0x40: {  	v36 =	vld.idx.msk [tilespmem:v51+s3+$0x0], $0xffff  }
0x41: {  	v38 =	vld.idx.msk [tilespmem:v52+s3+$0x0], $0xffff;
	v31 =	vsub.f32 $1.500000000e+00, v49  }
0x42: {  	v40 =	vld.idx.msk [tilespmem:v53+s3+$0x0], $0xffff  }
0x43: {  	v41 =	vld.idx.msk [tilespmem:v54+s3+$0x0], $0xffff;
	v17 =	vmul.f32 v31, v26  }
0x44: {  	v32 =	vsub.f32 v24, v21  }
0x45: {  	v33 =	vsub.f32 v33, v22;
	v21 =	vmul.f32 v17, v16;
	v22 =	vmul.f32 v17, v15  }
0x46: {  	v35 =	vsub.f32 v36, v35;
	v36 =	vsub.f32 v38, v34;
	v24 =	vmul.f32 v17, v14  }
0x47: {  	v38 =	vsub.f32 v40, v37;
	v42 =	vmul.f32 v21, v32;
	v43 =	vmul.f32 v22, v33  }
0x48: {  	v39 =	vsub.f32 v41, v39;
	v56 =	vmul.f32 v24, v35  }
0x49: {  	v57 =	vmul.f32 v21, v36;
	v58 =	vmul.f32 v22, v38;
	v55 =	vadd.f32 v43, v42;
	_ =	sdelay $0x1  }
0x4a: {  	v60 =	vmul.f32 v24, v39;
	v59 =	vadd.f32 v58, v57;
	v37 =	vadd.f32 v55, v56;
	_ =	sdelay $0x1  }
0x4b: {  	v40 =	vadd.f32 v59, v60;
	v61 =	vmul.f32 v37, v22;
	v62 =	vmul.f32 v37, v24  }
0x4c: {  	v44 =	vmul.f32 v37, v21  }
0x4d: {  	v34 =	vmul.f32 v40, v21;
	v43 =	vsub.f32 v33, v61;
	v41 =	vsub.f32 v35, v62  }
0x4e: {  	v63 =	vmul.f32 v40, v22;
	v0 =	vmul.f32 v40, v24;
	v44 =	vsub.f32 v32, v44  }
0x4f: {  	v46 =	vmul.f32 v41, v22;
	v48 =	vmul.f32 v43, v24  }
0x50: {  	v49 =	vmul.f32 v44, v24;
	v50 =	vmul.f32 v41, v21  }
0x51: {  	v45 =	vsub.f32 v36, v34;
	v47 =	vsub.f32 v38, v63;
	v1 =	vmul.f32 v43, v21  }
0x52: {  	v2 =	vmul.f32 v44, v22;
	v46 =	vsub.f32 v46, v48;
	v48 =	vsub.f32 v49, v50  }
0x53: {  	v4 =	vmul.f32 v45, v44;
	v52 =	vmul.f32 v47, v43;
	v49 =	vsub.f32 v39, v0  }
0x54: {  	v50 =	vsub.f32 v1, v2;
	v3 =	vmul.f32 v46, v45;
	v51 =	vmul.f32 v48, v47  }
0x55: {  	v42 =	vadd.f32 v52, v4  }
0x56: {  	v5 =	vmul.f32 v50, v49;
	v6 =	vmul.f32 v49, v41;
	v34 =	vadd.f32 v51, v3;
	_ =	sdelay $0x1  }
0x57: {  	v52 =	vadd.f32 v42, v6;
	v51 =	vadd.f32 v34, v5;
	_ =	sdelay $0x1  }
0x58: {  	v54 =	vand.u32 $0x7FFFFFFF, v52;
	v53 =	vand.u32 $0x7FFFFFFF, v51  }
0x59: {  	v55 =	vmax.f32 v53, v54  }
0x5a: {  	v56 =	vsub.s32 $0x7EF311C3, v55  }
0x5b: {  	v7 =	vmul.f32 v56, v55;
	_ =	sdelay $0x1  }
0x5c: {  	v34 =	vsub.f32 $2.000000000e+00, v7;
	_ =	sdelay $0x1  }
0x5d: {  	v57 =	vmul.f32 v56, v34;
	_ =	sdelay $0x1  }
0x5e: {  	v34 =	vmul.f32 v57, v55;
	_ =	sdelay $0x1  }
0x5f: {  	v58 =	vsub.f32 $2.000000000e+00, v34;
	_ =	sdelay $0x1  }
0x60: {  	v59 =	vmul.f32 v58, v57;
	_ =	sdelay $0x1  }
0x61: {  	v8 =	vmul.f32 v59, v55;
	_ =	sdelay $0x1  }
0x62: {  	v60 =	vsub.f32 $2.000000000e+00, v8;
	_ =	sdelay $0x1  }
0x63: {  	v61 =	vmul.f32 v60, v59;
	_ =	sdelay $0x1  }
0x64: {  	v9 =	vmul.f32 v61, v55;
	_ =	sdelay $0x1  }
0x65: {  	v62 =	vsub.f32 $2.000000000e+00, v9;
	_ =	sdelay $0x1  }
0x66: {  	v63 =	vmul.f32 v62, v61  }
0x67: {  	v0 =	vmin.f32 v53, v54  }
0x68: {  	v34 =	vmul.f32 v63, v0;
	_ =	sdelay $0x1  }
0x69: {  	v42 =	vmul.f32 v34, v34;
	_ =	sdelay $0x1  }
0x6a: {  	v1 =	vmul.f32 $1.084492770e-03, v42;
	_ =	sdelay $0x1  }
0x6b: {  	v1 =	vadd.f32 $-7.166164930e-03, v1;
	_ =	sdelay $0x1  }
0x6c: {  	v2 =	vmul.f32 v1, v42;
	_ =	sdelay $0x1  }
0x6d: {  	v2 =	vadd.f32 $2.220345470e-02, v2;
	_ =	sdelay $0x1  }
0x6e: {  	v3 =	vmul.f32 v2, v42;
	_ =	sdelay $0x1  }
0x6f: {  	v3 =	vadd.f32 $-4.427366700e-02, v3;
	_ =	sdelay $0x1  }
0x70: {  	v4 =	vmul.f32 v3, v42;
	_ =	sdelay $0x1  }
0x71: {  	v4 =	vadd.f32 $6.710114330e-02, v4;
	_ =	sdelay $0x1  }
0x72: {  	v5 =	vmul.f32 v4, v42;
	_ =	sdelay $0x1  }
0x73: {  	v5 =	vadd.f32 $-8.796117450e-02, v5;
	_ =	sdelay $0x1  }
0x74: {  	v6 =	vmul.f32 v5, v42;
	_ =	sdelay $0x1  }
0x75: {  	v6 =	vadd.f32 $1.105378490e-01, v6;
	_ =	sdelay $0x1  }
0x76: {  	v7 =	vmul.f32 v6, v42  }
0x77: {  	vm12 =	vlt.f32 v51, $0.0e+00  }
0x78: {  	v8 =	vsel vm12, $0xBF800000, v12;
	v7 =	vadd.f32 $-1.427904810e-01, v7  }
0x79: {  	v9 =	vsub.f32 $0.0e+00, v8  }
0x7a: {  	vm13 =	vlt.f32 v52, $0.0e+00;
	v10 =	vmul.f32 v7, v42  }
0x7b: {  	v8 =	vsel vm13, v9, v8  }
0x7c: {  	v9 =	vadd.f32 $1.999959650e-01, v10;
	v10 =	vsub.f32 $0.0e+00, v8  }
0x7d: {  	vm14 =	vgt.f32 v53, v54  }
0x7e: {  	v13 =	vmul.f32 v9, v42;
	v8 =	vsel vm14, v10, v8  }
0x7f: {  	v10 =	vmul.f32 v34, v8  }
0x80: {  	v13 =	vadd.f32 $-3.333332240e-01, v13  }
0x81: {  	v11 =	vmul.f32 v42, v10  }
0x82: {  	v10 =	vmul.f32 v13, v10  }
0x83: {  	v9 =	vmul.f32 v9, v11;
	v11 =	vmul.f32 v11, v42;
	_ =	sdelay $0x1  }
0x84: {  	v9 =	vadd.f32 v10, v9;
	v7 =	vmul.f32 v7, v11;
	v10 =	vmul.f32 v11, v42;
	_ =	sdelay $0x1  }
0x85: {  	v7 =	vadd.f32 v9, v7;
	v6 =	vmul.f32 v6, v10;
	v9 =	vmul.f32 v10, v42;
	_ =	sdelay $0x1  }
0x86: {  	v6 =	vadd.f32 v7, v6;
	v5 =	vmul.f32 v5, v9;
	v10 =	vmul.f32 v9, v42;
	_ =	sdelay $0x1  }
0x87: {  	v5 =	vadd.f32 v6, v5;
	v4 =	vmul.f32 v4, v10;
	v11 =	vmul.f32 v10, v42;
	_ =	sdelay $0x1  }
0x88: {  	v4 =	vadd.f32 v5, v4;
	v3 =	vmul.f32 v11, v3;
	v9 =	vmul.f32 v11, v42;
	_ =	sdelay $0x1  }
0x89: {  	v3 =	vadd.f32 v4, v3;
	v2 =	vmul.f32 v9, v2;
	v10 =	vmul.f32 v9, v42;
	_ =	sdelay $0x1  }
0x8a: {  	v2 =	vadd.f32 v3, v2;
	v1 =	vmul.f32 v10, v1;
	v11 =	vmul.f32 v10, v42;
	_ =	sdelay $0x1  }
0x8b: {  	v42 =	vmul.f32 v13, v42;
	v1 =	vadd.f32 v2, v1;
	v7 =	vmul.f32 $1.084492770e-03, v11;
	_ =	sdelay $0x1  }
0x8c: {  	v42 =	vadd.f32 $1.000000000e+00, v42;
	v1 =	vadd.f32 v1, v7;
	_ =	sdelay $0x1  }
0x8d: {  	v9 =	vmul.f32 v42, v8;
	v1 =	vmul.f32 v1, v34;
	_ =	sdelay $0x1  }
0x8e: {  	v2 =	vadd.f32 v1, v9;
	_ =	sdelay $0x1  }
0x8f: {  	v1 =	vadd.f32 v2, v1;
	_ =	sdelay $0x1  }
0x90: {  	v2 =	vmul.f32 v1, v0;
	_ =	sdelay $0x1  }
0x91: {  	v10 =	vmul.f32 v2, v61;
	_ =	sdelay $0x1  }
0x92: {  	v3 =	vsub.f32 $0.0e+00, v10;
	_ =	sdelay $0x1  }
0x93: {  	v2 =	vmul.f32 v2, v62;
	v11 =	vmul.f32 v3, v55;
	_ =	sdelay $0x1  }
0x94: {  	v2 =	vadd.f32 v11, v2;
	_ =	sdelay $0x1  }
0x95: {  	v4 =	vmul.f32 v2, v59;
	_ =	sdelay $0x1  }
0x96: {  	v4 =	vsub.f32 $0.0e+00, v4;
	_ =	sdelay $0x1  }
0x97: {  	v2 =	vmul.f32 v2, v60;
	v60 =	vmul.f32 v4, v55;
	_ =	sdelay $0x1  }
0x98: {  	vm15 =	veq.f32 v54, v0;
	v2 =	vadd.f32 v60, v2  }
0x99: {  	vm1 =	veq.f32 v53, v0;
	vm2 =	veq.f32 v54, v55;
	v62 =	vsel vm15, $0x40000000, v12  }
0x9a: {  	v0 =	vsel vm1, $0x40000000, v12;
	(erf) = vrcp.f32 v62;
	v8 =	vmul.f32 v2, v57  }
0x9b: {  	vm3 =	veq.f32 v53, v55;
	v9 =	vsel vm2, $0x40000000, v12;
	(erf) = vrcp.f32 v0  }
0x9c: {  	v10 =	vsel vm3, $0x40000000, v12;
	(erf) = vrcp.f32 v9;
	v5 =	vsub.f32 $0.0e+00, v8  }
0x9d: {  	(erf) = vrcp.f32 v10  }
0x9e: {  	v11 =	vmul.f32 v2, v58;
	v53 =	vmul.f32 v5, v55;
	_ =	sdelay $0x1  }
0x9f: {  	v0 =	vadd.f32 v53, v11  }
0xa0: {  	v54 =	vmul.f32 v3, v61  }
0xa1: {  	v55 =	vmul.f32 v4, v59;
	v0 =	vmul.f32 v56, v0;
	_ =	sdelay $0x1  }
0xa2: {  	v58 =	vpop (erf);
	v60 =	vmul.f32 v5, v57;
	v2 =	vadd.f32 v55, v54;
	v0 =	vsub.f32 $0.0e+00, v0  }
0xa3: {  	v59 =	vpop (erf)  }
0xa4: {  	v61 =	vimm.f32 $0.0e+00;
	v53 =	vpop (erf);
	v2 =	vadd.f32 v60, v2;
	v0 =	vmul.f32 v56, v0  }
0xa5: {  	v1 =	vmul.f32 v1, v63;
	v62 =	vsel vm15, $0x3F800000, v61;
	v54 =	vsel vm2, $0x3F800000, v61;
	v55 =	vpop (erf)  }
0xa6: {  	v5 =	vmul.f32 v59, v62;
	v3 =	vmul.f32 v55, v54;
	v0 =	vadd.f32 v0, v2  }
0xa7: {  	v57 =	vsel vm3, $0x3F800000, v61  }
0xa8: {  	v5 =	vmul.f32 v1, v5;
	v56 =	vsel vm1, $0x3F800000, v61;
	v3 =	vmul.f32 v0, v3  }
0xa9: {  	v4 =	vmul.f32 v58, v56;
	v2 =	vmul.f32 v53, v57  }
0xaa: {  	v58 =	vadd.f32 v3, v5  }
0xab: {  	v1 =	vmul.f32 v1, v4;
	v0 =	vmul.f32 v0, v2  }
0xac: {  	vm1 =	vge.f32 v52, $0.0e+00;
	v59 =	vxor.u32 $0x80000000, v58  }
0xad: {  	v0 =	vadd.f32 v0, v1;
	v1 =	vsel vm1, v58, v59  }
0xae: {  	v1 =	vadd.f32 $0.0e+00, v1  }
0xaf: {  	v60 =	vxor.u32 $0x80000000, v0;
	vm1 =	vge.f32 v51, $0.0e+00  }
0xb0: {  	v0 =	vsel vm1, v0, v60;
	v61 =	vmul.f32 v1, v41;
	v3 =	vmul.f32 v1, v49  }
0xb1: {  	v0 =	vadd.f32 $0.0e+00, v0;
	v62 =	vmul.f32 v1, v43;
	v63 =	vmul.f32 v1, v47  }
0xb2: {  	v52 =	vmul.f32 v1, v44;
	v1 =	vmul.f32 v1, v45  }
0xb3: {  	v51 =	vmul.f32 v0, v49;
	v53 =	vmul.f32 v0, v50  }
0xb4: {  	v54 =	vmul.f32 v0, v48;
	v55 =	vmul.f32 v0, v47  }
0xb5: {  	v57 =	vmul.f32 v0, v46;
	v0 =	vmul.f32 v0, v45  }
0xb6: {  	v56 =	vsub.f32 $0.0e+00, v51;
	v2 =	vadd.f32 v53, v61;
	v59 =	vmul.f32 v51, v21  }
0xb7: {  	v4 =	vadd.f32 v54, v62;
	v6 =	vmul.f32 v51, v43;
	v61 =	vmul.f32 v55, v24  }
0xb8: {  	v13 =	vsub.f32 $0.0e+00, v55;
	v10 =	vmul.f32 v55, v44;
	v50 =	vmul.f32 v0, v22  }
0xb9: {  	v62 =	vsub.f32 $0.0e+00, v0;
	v0 =	vmul.f32 v0, v41;
	v58 =	vmul.f32 v56, v22  }
0xba: {  	v7 =	vadd.f32 v57, v52;
	v60 =	vmul.f32 v13, v21;
	v13 =	vmul.f32 v13, v41  }
0xbb: {  	v5 =	vadd.f32 v59, v63;
	v63 =	vmul.f32 v56, v44;
	v51 =	vsub.f32 $0.0e+00, v4  }
0xbc: {  	v48 =	vmul.f32 v62, v24;
	v54 =	vsub.f32 $0.0e+00, v7;
	v1 =	vadd.f32 v58, v1  }
0xbd: {  	v49 =	vmul.f32 v62, v43;
	v6 =	vadd.f32 v13, v6;
	v13 =	vsub.f32 $0.0e+00, v2  }
0xbe: {  	v3 =	vadd.f32 v60, v3;
	v5 =	vadd.f32 v48, v5;
	v53 =	vmul.f32 v51, v22  }
0xbf: {  	v10 =	vadd.f32 v49, v10;
	v52 =	vmul.f32 v13, v40;
	v13 =	vmul.f32 v13, v24  }
0xc0: {  	v0 =	vadd.f32 v63, v0;
	v57 =	vmul.f32 v54, v21;
	v3 =	vadd.f32 v3, v50  }
0xc1: {  	v59 =	vmul.f32 v51, v40;
	v1 =	vadd.f32 v1, v61;
	v56 =	vadd.f32 v53, v13  }
0xc2: {  	v58 =	vsub.f32 $0.0e+00, v3;
	v13 =	vsub.f32 $0.0e+00, v5  }
0xc3: {  	v40 =	vmul.f32 v54, v40;
	v0 =	vadd.f32 v59, v0;
	v9 =	vadd.f32 v56, v57  }
0xc4: {  	v62 =	vsub.f32 $0.0e+00, v1;
	v60 =	vmul.f32 v58, v24;
	v61 =	vmul.f32 v13, v22  }
0xc5: {  	v55 =	vadd.f32 v52, v10;
	v6 =	vadd.f32 v40, v6;
	v39 =	vmul.f32 v9, v39  }
0xc6: {  	v63 =	vmul.f32 v62, v21;
	v38 =	vmul.f32 v9, v38;
	v10 =	vadd.f32 v60, v61  }
0xc7: {  	v11 =	vmul.f32 v58, v37;
	v36 =	vmul.f32 v9, v36;
	v8 =	vadd.f32 v39, v55  }
0xc8: {  	v13 =	vmul.f32 v13, v37;
	v0 =	vadd.f32 v38, v0;
	v10 =	vadd.f32 v10, v63  }
0xc9: {  	v6 =	vadd.f32 v36, v6;
	v39 =	vmul.f32 v62, v37;
	v8 =	vadd.f32 v8, v11  }
0xca: {  	v0 =	vadd.f32 v0, v13;
	v13 =	vmul.f32 v10, v35;
	v33 =	vmul.f32 v10, v33  }
0xcb: {  	v6 =	vadd.f32 v6, v39  }
0xcc: {  	v40 =	vmul.f32 v10, v32;
	v8 =	vadd.f32 v13, v8;
	v0 =	vadd.f32 v33, v0;
	_ =	sdelay $0x1  }
0xcd: {  	v6 =	vadd.f32 v40, v6;
	v41 =	vmul.f32 v8, v14;
	v13 =	vmul.f32 v0, v15;
	_ =	sdelay $0x1  }
0xce: {  	v11 =	vadd.f32 v13, v41;
	v13 =	vmul.f32 v6, v16;
	_ =	sdelay $0x1  }
0xcf: {  	v11 =	vadd.f32 v11, v13;
	_ =	sdelay $0x1  }
0xd0: {  	v13 =	vmul.f32 v11, v26;
	_ =	sdelay $0x1  }
0xd1: {  	v13 =	vsub.f32 $0.0e+00, v13  }
0xd2: {  	v11 =	vmul.f32 v11, v31  }
0xd3: {  	v30 =	vmul.f32 v13, v30;
	v13 =	vmul.f32 v13, v26;
	_ =	sdelay $0x1  }
0xd4: {  	v11 =	vadd.f32 v30, v11;
	v43 =	vmul.f32 v13, v20;
	_ =	sdelay $0x1  }
0xd5: {  	v11 =	vadd.f32 v43, v11;
	_ =	sdelay $0x1  }
0xd6: {  	v30 =	vmul.f32 v11, v23;
	_ =	sdelay $0x1  }
0xd7: {  	v30 =	vsub.f32 $0.0e+00, v30  }
0xd8: {  	v11 =	vmul.f32 v11, v29  }
0xd9: {  	v28 =	vmul.f32 v30, v28;
	v44 =	vmul.f32 v30, v23;
	_ =	sdelay $0x1  }
0xda: {  	v11 =	vadd.f32 v28, v11;
	v45 =	vmul.f32 v44, v20;
	_ =	sdelay $0x1  }
0xdb: {  	v11 =	vadd.f32 v45, v11;
	_ =	sdelay $0x1  }
0xdc: {  	v28 =	vmul.f32 v11, v19;
	_ =	sdelay $0x1  }
0xdd: {  	v28 =	vsub.f32 $0.0e+00, v28  }
0xde: {  	v11 =	vmul.f32 v11, v27  }
0xdf: {  	v25 =	vmul.f32 v28, v25;
	v46 =	vmul.f32 v28, v19;
	_ =	sdelay $0x1  }
0xe0: {  	v11 =	vadd.f32 v25, v11;
	v20 =	vmul.f32 v46, v20;
	_ =	sdelay $0x1  }
0xe1: {  	v11 =	vadd.f32 v20, v11;
	_ =	sdelay $0x1  }
0xe2: {  	v11 =	vmul.f32 v18, v11  }
0xe3: {  	v13 =	vmul.f32 v13, v26  }
0xe4: {  	v48 =	vmul.f32 v9, v24;
	v47 =	vmul.f32 v44, v23;
	v11 =	vsub.f32 $0.0e+00, v11  }
0xe5: {  	v13 =	vmul.f32 $5.000000000e-01, v13;
	v19 =	vmul.f32 v46, v19  }
0xe6: {  	v20 =	vmul.f32 $5.000000000e-01, v47;
	v11 =	vmul.f32 v18, v11  }
0xe7: {  	v49 =	vmul.f32 v9, v22;
	v9 =	vmul.f32 v9, v21  }
0xe8: {  	v19 =	vmul.f32 $5.000000000e-01, v19;
	v13 =	vadd.f32 v20, v13;
	v11 =	vmul.f32 v18, v11  }
0xe9: {  	v4 =	vadd.f32 v49, v4;
	v7 =	vadd.f32 v9, v7  }
0xea: {  	v2 =	vadd.f32 v48, v2;
	v13 =	vadd.f32 v19, v13;
	v11 =	vmul.f32 $5.000000000e-01, v11  }
0xeb: {  	v50 =	vmul.f32 v10, v22;
	v57 =	vsub.f32 $0.0e+00, v7;
	v58 =	vsub.f32 $0.0e+00, v4  }
0xec: {  	v0 =	vmul.f32 v0, v17;
	v11 =	vadd.f32 v11, v13;
	v13 =	vmul.f32 v10, v24  }
0xed: {  	v5 =	vadd.f32 v50, v5;
	v8 =	vmul.f32 v8, v17;
	v10 =	vmul.f32 v10, v21  }
0xee: {  	v6 =	vmul.f32 v6, v17;
	v3 =	vadd.f32 v13, v3;
	v13 =	vmul.f32 v11, v16  }
0xef: {  	v51 =	vmul.f32 v11, v15;
	v15 =	vmul.f32 v42, v34;
	v1 =	vadd.f32 v10, v1  }
0xf0: {  	v52 =	vmul.f32 v11, v14;
	v14 =	vsub.f32 $0.0e+00, v5;
	v6 =	vadd.f32 v13, v6  }
0xf1: {  	v0 =	vadd.f32 v51, v0;
	v53 =	vsub.f32 $1.570796370e+00, v15  }
0xf2: {  	v8 =	vadd.f32 v52, v8;
	v6 =	vadd.f32 v6, v13  }
0xf3: {  	vm1 =	vcmask $0x330;
	v0 =	vadd.f32 v0, v51;
	v13 =	vsub.f32 $0.0e+00, v1  }
0xf4: {  	v8 =	vadd.f32 v8, v52;
	v1 =	vnsel vm0, $0x0, v1;
	v54 =	vsub.f32 $0.0e+00, v6  }
0xf5: {  	v56 =	vsub.f32 $0.0e+00, v3;
	v1 =	vsel vm1, v1, v5;
	v55 =	vsub.f32 $0.0e+00, v0  }
0xf6: {  	vm1 =	vcmask $0x730;
	v9 =	vadd.f32 v54, v13;
	v13 =	vsub.f32 $0.0e+00, v8  }
0xf7: {  	v1 =	vsel vm1, v1, v3;
	vm1 =	vcmask $0xB30;
	v10 =	vadd.f32 v55, v14  }
0xf8: {  	v59 =	vsub.f32 $0.0e+00, v2;
	v5 =	vadd.f32 v13, v56;
	v1 =	vsel vm1, v1, v9  }
0xf9: {  	v63 =	vld [tilespmem:$0x1FFF0];
	v11 =	vsel vm14, v53, v15;
	v3 =	vadd.f32 v6, v57;
	v1 =	vsel vm4, v1, v10  }
0xfa: {  	v60 =	vsub.f32 $3.141592740e+00, v11;
	v0 =	vadd.f32 v0, v58;
	v1 =	vsel vm5, v1, v5  }
0xfb: {  	v6 =	vadd.f32 v8, v59;
	v1 =	vsel vm6, v1, v3  }
0xfc: {  	v61 =	vsel vm13, v60, v11;
	v0 =	vsel vm7, v1, v0  }
0xfd: {  	v62 =	vsub.f32 $0.0e+00, v61;
	v0 =	vsel vm8, v0, v6  }
0xfe: {  	v0 =	vsel vm9, v0, v7  }
0xff: {  	v1 =	vsel vm12, v62, v61;
	v0 =	vsel vm10, v0, v4  }
0x100: {  	[tilespmem:$0x600] =	vst v1;
	v0 =	vsel vm11, v0, v2  }
0x101: {  	[tilespmem:v63+s12+$0x0] =	vst.idx.msk $0xfff, v0  }
0x102: {  	[hbm4b:s5+s3] =	stream.linear.scatter [tilespmem:s12], [sflag:$0x1], $0x200, $0x38;
	[tilespmem:$0x680] =	vst v63  }
0x103: {  	_ =	swait.ge [sflag:s11], $0x200  }
0x104: {  	[sflag:s11] =	ssyncset.done $0x0  }
.Ltmp4:
0x105: {  	[sflag:s11] =	ssyncadd.s32 $0xFFFFFE00;
	(pc) =	sbr.rel .LBB2_4-.Ltmp4, $4  }
0x106: {  	[hbm4b:s1+s3] =	stream.linear.scatter [tilespmem:s13], [sflag:$0x1], $0x80, $0x38;
	[tilespmem:$0x680] =	vst v63  }
0x107: {  	_ =	swait.ge [sflag:s11], $0x80  }
0x108: {  	[sflag:s11] =	ssyncset.done $0x0  }
0x109: {  	[sflag:s11] =	ssyncadd.s32 $0xFFFFFF80  }
.LBB2_5:
0x10a: {  	_ =	sfence.sel $0x180000  }
0x10b: {  	[bflag:$0x0] =	sbarrier.arrive $0xFFFF  }
0x10c: {  	p0 =	sne.s32 s2, $0x0;
	_ =	strace $0x90000047  }
0x10d: {  	s0 =	sadd.s32 @!p0 $0x100000, s0;
	[bflag:$0x2] =	sbarrier.arrive $0xFFFF  }
0x10e: {  	[sflag:s0] =	ssyncadd.tile.s32 @!p0 $0x1;
	_ =	shalt  }
.Lfunc_end2:
_tile_overlayer_lowered:
.L_overlay_start_2:
0x10f: {  	(tag) =	ssettag $0x2  }
0x110: {  	s0 =	rddreg [dreg:$0x0];
	s2 =	stileid.u32  }
0x111: {  	s1 =	rddreg [dreg:$0x1];
	p0 =	sne.s32 s2, $0x0  }
0x112: {  	s3 =	rddreg [dreg:$0x2];
	[bflag:$0x3] =	sbarrier.arrive $0xFFFF;
	s2 =	simm.s32 @!p0 $0x1C01  }
0x113: {  	[timem:s3], [sflag:s2] =	dma.local @!p0 [hbm:s0], s1  }
0x114: {  	s0 =	simm.s32 @!p0 $0x1  }
0x115: {  	_ =	swait.ge @!p0 [sflag:s0], s1  }
0x116: {  	s1 =	ssub.s32 @!p0 $0x0, s1;
	[sflag:s0] =	ssyncset.done @!p0 $0x0  }
0x117: {  	[sflag:s0] =	ssyncadd.s32 @!p0 s1  }
0x118: {  	[bflag:$0x3] =	sbarrier.arrive $0xFFFF  }
0x119: {  	_ =	shalt  }

</sc_bundles>
